<compile_context>
chip_gen: v7x
topology: tpu7x:2x2x1
jax: 0.10.2.dev20260603
libtpu: 0.0.44.dev20260713+nightly
codegen_flags: <defaults>
</compile_context>

<pallas_src>
import functools

import jax
import jax.numpy as jnp
from jax import lax
from jax.experimental import pallas as pl
from jax.experimental.pallas import tpu as pltpu
from jax.experimental.pallas import tpu_sc as plsc

_N = 1024
_D = 32
_V = 512
_L = 16


def _gather_body(idx_hbm, table_hbm, out_hbm, idx_v, table_v,
                 rows2, sem, *, n_workers):
    mesh_nc = lax.axis_size("c")
    wid = lax.axis_index("s") * mesh_nc + lax.axis_index("c")
    rows_per_w = _N // n_workers
    base = wid * rows_per_w

    idx_band = idx_hbm.at[pl.ds(base // 8, rows_per_w // 8)]
    pltpu.async_copy(table_hbm, table_v, sem.at[0])
    pltpu.async_copy(idx_band, idx_v, sem.at[1])
    pltpu.make_async_copy(table_hbm, table_v, sem.at[0]).wait()
    pltpu.make_async_copy(idx_band, idx_v, sem.at[1]).wait()

    def compute_row(i, rows_v):
        rb = i // 8
        r_in = i % 8

        @plsc.parallel_loop(0, _N // _L)
        def group(g):
            jb = g // 8
            j_in = (g % 8) * _L
            idx_vec = idx_v[rb, jb, r_in, pl.ds(j_in, _L)]
            for d in range(_D):
                vals = plsc.load_gather(table_v, [idx_vec + d * _V])
                rows_v[d // 8, jb, d % 8, pl.ds(j_in, _L)] = vals

    def row(i, carry):
        r = base + i
        buf = i % 2
        rows_v = rows2.at[buf]

        @pl.when(i > 1)
        def _wait():
            pltpu.make_async_copy(rows_v, out_hbm.at[r - 2],
                                  sem.at[buf]).wait()

        compute_row(i, rows_v)
        pltpu.async_copy(rows_v, out_hbm.at[r], sem.at[buf])
        return carry

    lax.fori_loop(0, rows_per_w, row, 0)
    last = base + rows_per_w
    pltpu.make_async_copy(rows2.at[0], out_hbm.at[last - 2], sem.at[0]).wait()
    pltpu.make_async_copy(rows2.at[1], out_hbm.at[last - 1], sem.at[1]).wait()


def kernel(spd_matrix, W):
    mesh = plsc.VectorSubcoreMesh(core_axis_name="c", subcore_axis_name="s")
    nw = mesh.num_cores * mesh.num_subcores
    body = functools.partial(_gather_body, n_workers=nw)
    f = pl.kernel(
        body,
        mesh=mesh,
        compiler_params=pltpu.CompilerParams(
            needs_layout_passes=False, use_tc_tiling_on_sc=False),
        out_type=jax.ShapeDtypeStruct((_N, _D // 8, _N // 128, 8, 128),
                                      jnp.float32),
        scratch_types=[
            pltpu.VMEM((_N // nw // 8, _N // 128, 8, 128), jnp.int32),
            pltpu.VMEM((_D * _V,), jnp.float32),
            pltpu.VMEM((2, _D // 8, _N // 128, 8, 128), jnp.float32),
            pltpu.SemaphoreType.DMA((2,)),
        ],
    )
    spd5 = spd_matrix.reshape(_N // 8, 8, _N // 128, 128)
    spd5 = jnp.transpose(spd5, (0, 2, 1, 3))
    out = f(spd5, W.T.reshape(_D * _V))
    out = jnp.transpose(out, (0, 2, 4, 1, 3))
    return out.reshape(_N, _N, _D)

# --- scband reference (transcript-rebuilt; emitter-appended) ---
"""Pipeline reference for scband-graph-attn-bias-73409581023405 (READ-ONLY COPY).

The authoritative reference and input builder live on the scoring server;
editing this copy changes nothing except your own understanding.
"""

import jax, jax.numpy as jnp
import numpy as np

MAX_DIST = 512
HIDDEN = 32
N = 1024

def setup_inputs(seed: int = 0) -> dict:
    key = jax.random.key(seed)
    k1, k2 = jax.random.split(key)
    # spd_matrix: shortest-path-distance buckets between every pair of nodes
    spd_matrix = jax.random.randint(k1, (N, N), 0, MAX_DIST, dtype=jnp.int32)
    # embedding table; padding_idx=0 -> row 0 is zeros (as nn.Embedding with padding_idx)
    W = jax.random.normal(k2, (MAX_DIST, HIDDEN), dtype=jnp.float32)
    W = W.at[0].set(0.0)
    return {"spd_matrix": spd_matrix, "W": W}

def reference(spd_matrix, W):
    # nn.Embedding(max_dist, hidden_size, padding_idx=0)(spd_matrix)
    # -> gather rows of W by spd indices: [N, N] -> [N, N, HIDDEN]
    return jnp.take(W, spd_matrix, axis=0)

if __name__ == "__main__":
    import jax
    _d = setup_inputs()
    print(jax.jit(kernel)(*tuple(_d.values())))

</pallas_src>

<mosaic_0001>
#map = affine_map<(d0, d1) -> (0, 0, 0, 0)>
#map1 = affine_map<(d0, d1) -> (0)>
#map2 = affine_map<(d0, d1) -> (0, 0, 0, 0, 0)>
module attributes {stable_mosaic.version = 14 : i64} {
  func.func @_gather_body(%arg0: i32, %arg1: i32, %arg2: memref<128x8x8x128xi32, #tpu.memory_space<hbm>>, %arg3: memref<16384xf32, #tpu.memory_space<hbm>>, %arg4: memref<1024x4x8x8x128xf32, #tpu.memory_space<hbm>>, %arg5: memref<4x8x8x128xi32, #tpu.memory_space<vmem>>, %arg6: memref<16384xf32, #tpu.memory_space<vmem>>, %arg7: memref<2x4x8x8x128xf32, #tpu.memory_space<vmem>>, %arg8: memref<2x!tpu.dma_semaphore, #tpu.memory_space<semaphore_mem>>) attributes {dimension_semantics = [#tpu.dimension_semantics<core_parallel>, #tpu.dimension_semantics<subcore_parallel>], iteration_bounds = array<i64: 2, 16>, scalar_prefetch = 0 : i64, scratch_operands = 4 : i64, tpu.core_type = #tpu.core_type<sc_vector_subcore>, window_params = [{transform_indices = #map}, {transform_indices = #map1}, {transform_indices = #map2}]} {
    %mul3A = arith.constant 2 : i32
    %mul3A_0 = arith.muli %arg1, %mul3A : i32
    %add3A = arith.addi %mul3A_0, %arg0 : i32
    %mul3A_1 = arith.constant 32 : i32
    %mul3A_2 = arith.muli %add3A, %mul3A_1 : i32
    %jit3A = arith.constant 8 : i32
    %div3A = arith.divsi %mul3A_2, %jit3A : i32
    %sign3A = arith.constant 0 : i32
    %sign3A_3 = arith.cmpi sgt, %mul3A_2, %sign3A : i32
    %sign3A_4 = arith.extui %sign3A_3 : i1 to i32
    %sign3A_5 = arith.constant 0 : i32
    %sign3A_6 = arith.cmpi slt, %mul3A_2, %sign3A_5 : i32
    %sign3A_7 = arith.extui %sign3A_6 : i1 to i32
    %sign3A_8 = arith.subi %sign3A_4, %sign3A_7 : i32
    %sign3A_9 = arith.constant 0 : i32
    %sign3A_10 = arith.cmpi sgt, %jit3A, %sign3A_9 : i32
    %sign3A_11 = arith.extui %sign3A_10 : i1 to i32
    %sign3A_12 = arith.constant 0 : i32
    %sign3A_13 = arith.cmpi slt, %jit3A, %sign3A_12 : i32
    %sign3A_14 = arith.extui %sign3A_13 : i1 to i32
    %sign3A_15 = arith.subi %sign3A_11, %sign3A_14 : i32
    %ne3A = arith.cmpi ne, %sign3A_8, %sign3A_15 : i32
    %rem3A = arith.remsi %mul3A_2, %jit3A : i32
    %ne3A_16 = arith.constant 0 : i32
    %ne3A_17 = arith.cmpi ne, %rem3A, %ne3A_16 : i32
    %and3A = arith.andi %ne3A, %ne3A_17 : i1
    %sub3A = arith.constant 1 : i32
    %sub3A_18 = arith.subi %div3A, %sub3A : i32
    %select_n3A = arith.select %and3A, %sub3A_18, %div3A : i32
    %dma_start3A = arith.constant 0 : i32
    %dma_start3A_19 = tpu.memref_slice %arg8[%dma_start3A] : memref<2x!tpu.dma_semaphore, #tpu.memory_space<semaphore_mem>> -> memref<1x!tpu.dma_semaphore, #tpu.memory_space<semaphore_mem>>
    %dma_start3A_20 = tpu.memref_squeeze %dma_start3A_19 : memref<1x!tpu.dma_semaphore, #tpu.memory_space<semaphore_mem>> -> memref<!tpu.dma_semaphore, #tpu.memory_space<semaphore_mem>>
    tpu.enqueue_dma source(%arg3 : memref<16384xf32, #tpu.memory_space<hbm>>) target(%arg6 : memref<16384xf32, #tpu.memory_space<vmem>>) target_semaphore(%dma_start3A_20 : memref<!tpu.dma_semaphore, #tpu.memory_space<semaphore_mem>>)
    %dma_start3A_21 = arith.constant 1 : i32
    %dma_start3A_22 = arith.constant 0 : i32
    %dma_start3A_23 = arith.constant 0 : i32
    %dma_start3A_24 = arith.constant 0 : i32
    %dma_start3A_25 = tpu.memref_slice %arg2[%select_n3A, %dma_start3A_22, %dma_start3A_23, %dma_start3A_24] : memref<128x8x8x128xi32, #tpu.memory_space<hbm>> -> memref<4x8x8x128xi32, #tpu.memory_space<hbm>>
    %dma_start3A_26 = tpu.memref_slice %arg8[%dma_start3A_21] : memref<2x!tpu.dma_semaphore, #tpu.memory_space<semaphore_mem>> -> memref<1x!tpu.dma_semaphore, #tpu.memory_space<semaphore_mem>>
    %dma_start3A_27 = tpu.memref_squeeze %dma_start3A_26 : memref<1x!tpu.dma_semaphore, #tpu.memory_space<semaphore_mem>> -> memref<!tpu.dma_semaphore, #tpu.memory_space<semaphore_mem>>
    %dma_start3A_28 = arith.constant 0 : i32
    %dma_start3A_29 = arith.constant 0 : i32
    %dma_start3A_30 = arith.constant 0 : i32
    %dma_start3A_31 = tpu.memref_slice %arg2[%select_n3A, %dma_start3A_28, %dma_start3A_29, %dma_start3A_30] : memref<128x8x8x128xi32, #tpu.memory_space<hbm>> -> memref<4x8x8x128xi32, #tpu.memory_space<hbm>>
    tpu.enqueue_dma source(%dma_start3A_31 : memref<4x8x8x128xi32, #tpu.memory_space<hbm>>) target(%arg5 : memref<4x8x8x128xi32, #tpu.memory_space<vmem>>) target_semaphore(%dma_start3A_27 : memref<!tpu.dma_semaphore, #tpu.memory_space<semaphore_mem>>)
    %dma_wait3A = arith.constant 0 : i32
    %dma_wait3A_32 = tpu.memref_slice %arg8[%dma_wait3A] : memref<2x!tpu.dma_semaphore, #tpu.memory_space<semaphore_mem>> -> memref<1x!tpu.dma_semaphore, #tpu.memory_space<semaphore_mem>>
    %dma_wait3A_33 = tpu.memref_squeeze %dma_wait3A_32 : memref<1x!tpu.dma_semaphore, #tpu.memory_space<semaphore_mem>> -> memref<!tpu.dma_semaphore, #tpu.memory_space<semaphore_mem>>
    tpu.wait_dma2 semaphore(%dma_wait3A_33 : memref<!tpu.dma_semaphore, #tpu.memory_space<semaphore_mem>>) src(%arg3 : memref<16384xf32, #tpu.memory_space<hbm>>) dst(%arg6 : memref<16384xf32, #tpu.memory_space<vmem>>)
    %dma_wait3A_34 = arith.constant 1 : i32
    %dma_wait3A_35 = arith.constant 0 : i32
    %dma_wait3A_36 = arith.constant 0 : i32
    %dma_wait3A_37 = arith.constant 0 : i32
    %dma_wait3A_38 = tpu.memref_slice %arg2[%select_n3A, %dma_wait3A_35, %dma_wait3A_36, %dma_wait3A_37] : memref<128x8x8x128xi32, #tpu.memory_space<hbm>> -> memref<4x8x8x128xi32, #tpu.memory_space<hbm>>
    %dma_wait3A_39 = tpu.memref_slice %arg8[%dma_wait3A_34] : memref<2x!tpu.dma_semaphore, #tpu.memory_space<semaphore_mem>> -> memref<1x!tpu.dma_semaphore, #tpu.memory_space<semaphore_mem>>
    %dma_wait3A_40 = tpu.memref_squeeze %dma_wait3A_39 : memref<1x!tpu.dma_semaphore, #tpu.memory_space<semaphore_mem>> -> memref<!tpu.dma_semaphore, #tpu.memory_space<semaphore_mem>>
    %dma_wait3A_41 = arith.constant 0 : i32
    %dma_wait3A_42 = arith.constant 0 : i32
    %dma_wait3A_43 = arith.constant 0 : i32
    %dma_wait3A_44 = tpu.memref_slice %arg2[%select_n3A, %dma_wait3A_41, %dma_wait3A_42, %dma_wait3A_43] : memref<128x8x8x128xi32, #tpu.memory_space<hbm>> -> memref<4x8x8x128xi32, #tpu.memory_space<hbm>>
    tpu.wait_dma2 semaphore(%dma_wait3A_40 : memref<!tpu.dma_semaphore, #tpu.memory_space<semaphore_mem>>) src(%dma_wait3A_44 : memref<4x8x8x128xi32, #tpu.memory_space<hbm>>) dst(%arg5 : memref<4x8x8x128xi32, #tpu.memory_space<vmem>>)
    %scan3A = arith.constant 0 : i32
    %scan3A_45 = arith.constant 0 : i32
    %scan3A_46 = arith.constant 32 : i32
    %scan3A_47 = arith.addi %scan3A_45, %scan3A_46 : i32
    %scan3A_48 = arith.constant 1 : i32
    scf.for %scan3A_112 = %scan3A_45 to %scan3A_47 step %scan3A_48  : i32 {
      %add3A_113 = arith.addi %mul3A_2, %scan3A_112 : i32
      %jit3A_114 = arith.constant 2 : i32
      %eq3A = arith.constant 0 : i32
      %eq3A_115 = arith.cmpi eq, %jit3A_114, %eq3A : i32
      %jit3A_116 = arith.constant 1 : i32
      %select_n3A_117 = arith.select %eq3A_115, %jit3A_116, %jit3A_114 : i32
      %rem3A_118 = arith.remsi %scan3A_112, %select_n3A_117 : i32
      %ne3A_119 = arith.constant 0 : i32
      %ne3A_120 = arith.cmpi ne, %rem3A_118, %ne3A_119 : i32
      %lt3A = arith.constant 0 : i32
      %lt3A_121 = arith.cmpi slt, %rem3A_118, %lt3A : i32
      %lt3A_122 = arith.constant 0 : i32
      %lt3A_123 = arith.cmpi slt, %select_n3A_117, %lt3A_122 : i32
      %ne3A_124 = arith.xori %lt3A_121, %lt3A_123 : i1
      %and3A_125 = arith.andi %ne3A_124, %ne3A_120 : i1
      %add3A_126 = arith.addi %rem3A_118, %select_n3A_117 : i32
      %select_n3A_127 = arith.select %and3A_125, %add3A_126, %rem3A_118 : i32
      %gt3A = arith.constant 1 : i32
      %gt3A_128 = arith.cmpi sgt, %scan3A_112, %gt3A : i32
      %convert_element_type3A = arith.extui %gt3A_128 : i1 to i32
      %cond3A = arith.constant 0 : i32
      %cond3A_129 = arith.cmpi ne, %convert_element_type3A, %cond3A : i32
      scf.if %cond3A_129 {
        %sub3A_198 = arith.constant 2 : i32
        %sub3A_199 = arith.subi %add3A_113, %sub3A_198 : i32
        %dma_wait3A_200 = arith.constant 0 : i32
        %dma_wait3A_201 = arith.constant 0 : i32
        %dma_wait3A_202 = arith.constant 0 : i32
        %dma_wait3A_203 = arith.constant 0 : i32
        %dma_wait3A_204 = tpu.memref_slice %arg7[%select_n3A_127, %dma_wait3A_200, %dma_wait3A_201, %dma_wait3A_202, %dma_wait3A_203] : memref<2x4x8x8x128xf32, #tpu.memory_space<vmem>> -> memref<1x4x8x8x128xf32, #tpu.memory_space<vmem>>
        %dma_wait3A_205 = tpu.memref_squeeze %dma_wait3A_204 : memref<1x4x8x8x128xf32, #tpu.memory_space<vmem>> -> memref<4x8x8x128xf32, #tpu.memory_space<vmem>>
        %dma_wait3A_206 = arith.constant 0 : i32
        %dma_wait3A_207 = arith.constant 0 : i32
        %dma_wait3A_208 = arith.constant 0 : i32
        %dma_wait3A_209 = arith.constant 0 : i32
        %dma_wait3A_210 = tpu.memref_slice %arg4[%sub3A_199, %dma_wait3A_206, %dma_wait3A_207, %dma_wait3A_208, %dma_wait3A_209] : memref<1024x4x8x8x128xf32, #tpu.memory_space<hbm>> -> memref<1x4x8x8x128xf32, #tpu.memory_space<hbm>>
        %dma_wait3A_211 = tpu.memref_squeeze %dma_wait3A_210 : memref<1x4x8x8x128xf32, #tpu.memory_space<hbm>> -> memref<4x8x8x128xf32, #tpu.memory_space<hbm>>
        %dma_wait3A_212 = tpu.memref_slice %arg8[%select_n3A_127] : memref<2x!tpu.dma_semaphore, #tpu.memory_space<semaphore_mem>> -> memref<1x!tpu.dma_semaphore, #tpu.memory_space<semaphore_mem>>
        %dma_wait3A_213 = tpu.memref_squeeze %dma_wait3A_212 : memref<1x!tpu.dma_semaphore, #tpu.memory_space<semaphore_mem>> -> memref<!tpu.dma_semaphore, #tpu.memory_space<semaphore_mem>>
        %dma_wait3A_214 = arith.constant 0 : i32
        %dma_wait3A_215 = arith.constant 0 : i32
        %dma_wait3A_216 = arith.constant 0 : i32
        %dma_wait3A_217 = arith.constant 0 : i32
        %dma_wait3A_218 = tpu.memref_slice %arg4[%sub3A_199, %dma_wait3A_214, %dma_wait3A_215, %dma_wait3A_216, %dma_wait3A_217] : memref<1024x4x8x8x128xf32, #tpu.memory_space<hbm>> -> memref<1x4x8x8x128xf32, #tpu.memory_space<hbm>>
        %dma_wait3A_219 = tpu.memref_squeeze %dma_wait3A_218 : memref<1x4x8x8x128xf32, #tpu.memory_space<hbm>> -> memref<4x8x8x128xf32, #tpu.memory_space<hbm>>
        %dma_wait3A_220 = arith.constant 0 : i32
        %dma_wait3A_221 = arith.constant 0 : i32
        %dma_wait3A_222 = arith.constant 0 : i32
        %dma_wait3A_223 = arith.constant 0 : i32
        %dma_wait3A_224 = tpu.memref_slice %arg7[%select_n3A_127, %dma_wait3A_220, %dma_wait3A_221, %dma_wait3A_222, %dma_wait3A_223] : memref<2x4x8x8x128xf32, #tpu.memory_space<vmem>> -> memref<1x4x8x8x128xf32, #tpu.memory_space<vmem>>
        %dma_wait3A_225 = tpu.memref_squeeze %dma_wait3A_224 : memref<1x4x8x8x128xf32, #tpu.memory_space<vmem>> -> memref<4x8x8x128xf32, #tpu.memory_space<vmem>>
        tpu.wait_dma2 semaphore(%dma_wait3A_213 : memref<!tpu.dma_semaphore, #tpu.memory_space<semaphore_mem>>) src(%dma_wait3A_225 : memref<4x8x8x128xf32, #tpu.memory_space<vmem>>) dst(%dma_wait3A_219 : memref<4x8x8x128xf32, #tpu.memory_space<hbm>>)
      } else {
      }
      %jit3A_130 = arith.constant 8 : i32
      %div3A_131 = arith.divsi %scan3A_112, %jit3A_130 : i32
      %sign3A_132 = arith.constant 0 : i32
      %sign3A_133 = arith.cmpi sgt, %scan3A_112, %sign3A_132 : i32
      %sign3A_134 = arith.extui %sign3A_133 : i1 to i32
      %sign3A_135 = arith.constant 0 : i32
      %sign3A_136 = arith.cmpi slt, %scan3A_112, %sign3A_135 : i32
      %sign3A_137 = arith.extui %sign3A_136 : i1 to i32
      %sign3A_138 = arith.subi %sign3A_134, %sign3A_137 : i32
      %sign3A_139 = arith.constant 0 : i32
      %sign3A_140 = arith.cmpi sgt, %jit3A_130, %sign3A_139 : i32
      %sign3A_141 = arith.extui %sign3A_140 : i1 to i32
      %sign3A_142 = arith.constant 0 : i32
      %sign3A_143 = arith.cmpi slt, %jit3A_130, %sign3A_142 : i32
      %sign3A_144 = arith.extui %sign3A_143 : i1 to i32
      %sign3A_145 = arith.subi %sign3A_141, %sign3A_144 : i32
      %ne3A_146 = arith.cmpi ne, %sign3A_138, %sign3A_145 : i32
      %rem3A_147 = arith.remsi %scan3A_112, %jit3A_130 : i32
      %ne3A_148 = arith.constant 0 : i32
      %ne3A_149 = arith.cmpi ne, %rem3A_147, %ne3A_148 : i32
      %and3A_150 = arith.andi %ne3A_146, %ne3A_149 : i1
      %sub3A_151 = arith.constant 1 : i32
      %sub3A_152 = arith.subi %div3A_131, %sub3A_151 : i32
      %select_n3A_153 = arith.select %and3A_150, %sub3A_152, %div3A_131 : i32
      %jit3A_154 = arith.constant 8 : i32
      %eq3A_155 = arith.constant 0 : i32
      %eq3A_156 = arith.cmpi eq, %jit3A_154, %eq3A_155 : i32
      %jit3A_157 = arith.constant 1 : i32
      %select_n3A_158 = arith.select %eq3A_156, %jit3A_157, %jit3A_154 : i32
      %rem3A_159 = arith.remsi %scan3A_112, %select_n3A_158 : i32
      %ne3A_160 = arith.constant 0 : i32
      %ne3A_161 = arith.cmpi ne, %rem3A_159, %ne3A_160 : i32
      %lt3A_162 = arith.constant 0 : i32
      %lt3A_163 = arith.cmpi slt, %rem3A_159, %lt3A_162 : i32
      %lt3A_164 = arith.constant 0 : i32
      %lt3A_165 = arith.cmpi slt, %select_n3A_158, %lt3A_164 : i32
      %ne3A_166 = arith.xori %lt3A_163, %lt3A_165 : i1
      %and3A_167 = arith.andi %ne3A_166, %ne3A_161 : i1
      %add3A_168 = arith.addi %rem3A_159, %select_n3A_158 : i32
      %select_n3A_169 = arith.select %and3A_167, %add3A_168, %rem3A_159 : i32
      %parallel_loop3A = arith.constant 0 : i32
      %parallel_loop3A_170 = arith.constant 64 : i32
      %parallel_loop3A_171 = arith.constant 1 : i32
      scf.for %parallel_loop3A_198 = %parallel_loop3A to %parallel_loop3A_170 step %parallel_loop3A_171  : i32 {
        %parallel_loop3A_199 = arith.constant 8 : i32
        %parallel_loop3A_200 = arith.divsi %parallel_loop3A_198, %parallel_loop3A_199 : i32
        %parallel_loop3A_201 = arith.constant 0 : i32
        %parallel_loop3A_202 = arith.cmpi sgt, %parallel_loop3A_198, %parallel_loop3A_201 : i32
        %parallel_loop3A_203 = arith.extui %parallel_loop3A_202 : i1 to i32
        %parallel_loop3A_204 = arith.constant 0 : i32
        %parallel_loop3A_205 = arith.cmpi slt, %parallel_loop3A_198, %parallel_loop3A_204 : i32
        %parallel_loop3A_206 = arith.extui %parallel_loop3A_205 : i1 to i32
        %parallel_loop3A_207 = arith.subi %parallel_loop3A_203, %parallel_loop3A_206 : i32
        %parallel_loop3A_208 = arith.constant 0 : i32
        %parallel_loop3A_209 = arith.cmpi sgt, %parallel_loop3A_199, %parallel_loop3A_208 : i32
        %parallel_loop3A_210 = arith.extui %parallel_loop3A_209 : i1 to i32
        %parallel_loop3A_211 = arith.constant 0 : i32
        %parallel_loop3A_212 = arith.cmpi slt, %parallel_loop3A_199, %parallel_loop3A_211 : i32
        %parallel_loop3A_213 = arith.extui %parallel_loop3A_212 : i1 to i32
        %parallel_loop3A_214 = arith.subi %parallel_loop3A_210, %parallel_loop3A_213 : i32
        %parallel_loop3A_215 = arith.cmpi ne, %parallel_loop3A_207, %parallel_loop3A_214 : i32
        %parallel_loop3A_216 = arith.remsi %parallel_loop3A_198, %parallel_loop3A_199 : i32
        %parallel_loop3A_217 = arith.constant 0 : i32
        %parallel_loop3A_218 = arith.cmpi ne, %parallel_loop3A_216, %parallel_loop3A_217 : i32
        %parallel_loop3A_219 = arith.andi %parallel_loop3A_215, %parallel_loop3A_218 : i1
        %parallel_loop3A_220 = arith.constant 1 : i32
        %parallel_loop3A_221 = arith.subi %parallel_loop3A_200, %parallel_loop3A_220 : i32
        %parallel_loop3A_222 = arith.select %parallel_loop3A_219, %parallel_loop3A_221, %parallel_loop3A_200 : i32
        %parallel_loop3A_223 = arith.constant 8 : i32
        %parallel_loop3A_224 = arith.constant 0 : i32
        %parallel_loop3A_225 = arith.cmpi eq, %parallel_loop3A_223, %parallel_loop3A_224 : i32
        %parallel_loop3A_226 = arith.constant 1 : i32
        %parallel_loop3A_227 = arith.select %parallel_loop3A_225, %parallel_loop3A_226, %parallel_loop3A_223 : i32
        %parallel_loop3A_228 = arith.remsi %parallel_loop3A_198, %parallel_loop3A_227 : i32
        %parallel_loop3A_229 = arith.constant 0 : i32
        %parallel_loop3A_230 = arith.cmpi ne, %parallel_loop3A_228, %parallel_loop3A_229 : i32
        %parallel_loop3A_231 = arith.constant 0 : i32
        %parallel_loop3A_232 = arith.cmpi slt, %parallel_loop3A_228, %parallel_loop3A_231 : i32
        %parallel_loop3A_233 = arith.constant 0 : i32
        %parallel_loop3A_234 = arith.cmpi slt, %parallel_loop3A_227, %parallel_loop3A_233 : i32
        %parallel_loop3A_235 = arith.xori %parallel_loop3A_232, %parallel_loop3A_234 : i1
        %parallel_loop3A_236 = arith.andi %parallel_loop3A_235, %parallel_loop3A_230 : i1
        %parallel_loop3A_237 = arith.addi %parallel_loop3A_228, %parallel_loop3A_227 : i32
        %parallel_loop3A_238 = arith.select %parallel_loop3A_236, %parallel_loop3A_237, %parallel_loop3A_228 : i32
        %parallel_loop3A_239 = arith.constant 16 : i32
        %parallel_loop3A_240 = arith.muli %parallel_loop3A_238, %parallel_loop3A_239 : i32
        %parallel_loop3A_241 = arith.index_cast %select_n3A_153 : i32 to index
        %parallel_loop3A_242 = arith.index_cast %parallel_loop3A_222 : i32 to index
        %parallel_loop3A_243 = arith.index_cast %select_n3A_169 : i32 to index
        %parallel_loop3A_244 = arith.index_cast %parallel_loop3A_240 : i32 to index
        %parallel_loop3A_245 = tpu.vector_load %arg5[%parallel_loop3A_241, %parallel_loop3A_242, %parallel_loop3A_243, %parallel_loop3A_244] {strides = array<i32>} : memref<4x8x8x128xi32, #tpu.memory_space<vmem>>, vector<16xi32>,
        %parallel_loop3A_246 = arith.constant 0 : i32
        %parallel_loop3A_247 = vector.broadcast %parallel_loop3A_246 : i32 to vector<16xi32>
        %parallel_loop3A_248 = arith.addi %parallel_loop3A_245, %parallel_loop3A_247 : vector<16xi32>
        %parallel_loop3A_249 = tpu.vector_load_idx %arg6[%parallel_loop3A_248] : memref<16384xf32, #tpu.memory_space<vmem>>[vector<16xi32>], vector<16xf32>,
        %parallel_loop3A_250 = arith.constant 0 : i32
        %parallel_loop3A_251 = arith.constant 0 : i32
        %parallel_loop3A_252 = arith.constant 0 : i32
        %parallel_loop3A_253 = arith.constant 0 : i32
        %parallel_loop3A_254 = arith.constant 0 : i32
        %parallel_loop3A_255 = arith.constant 0 : i32
        %parallel_loop3A_256 = tpu.memref_slice %arg7[%select_n3A_127, %parallel_loop3A_252, %parallel_loop3A_253, %parallel_loop3A_254, %parallel_loop3A_255] : memref<2x4x8x8x128xf32, #tpu.memory_space<vmem>> -> memref<1x4x8x8x128xf32, #tpu.memory_space<vmem>>
        %parallel_loop3A_257 = tpu.memref_squeeze %parallel_loop3A_256 : memref<1x4x8x8x128xf32, #tpu.memory_space<vmem>> -> memref<4x8x8x128xf32, #tpu.memory_space<vmem>>
        %parallel_loop3A_258 = arith.index_cast %parallel_loop3A_250 : i32 to index
        %parallel_loop3A_259 = arith.index_cast %parallel_loop3A_222 : i32 to index
        %parallel_loop3A_260 = arith.index_cast %parallel_loop3A_251 : i32 to index
        %parallel_loop3A_261 = arith.index_cast %parallel_loop3A_240 : i32 to index
        %parallel_loop3A_262 = tpu.vector_load %parallel_loop3A_257[%parallel_loop3A_258, %parallel_loop3A_259, %parallel_loop3A_260, %parallel_loop3A_261] {strides = array<i32>} : memref<4x8x8x128xf32, #tpu.memory_space<vmem>>, vector<16xf32>,
        tpu.vector_store %parallel_loop3A_257[%parallel_loop3A_258, %parallel_loop3A_259, %parallel_loop3A_260, %parallel_loop3A_261], %parallel_loop3A_249 {strides = array<i32>} : memref<4x8x8x128xf32, #tpu.memory_space<vmem>>, vector<16xf32>,
        %parallel_loop3A_263 = arith.constant 512 : i32
        %parallel_loop3A_264 = vector.broadcast %parallel_loop3A_263 : i32 to vector<16xi32>
        %parallel_loop3A_265 = arith.addi %parallel_loop3A_245, %parallel_loop3A_264 : vector<16xi32>
        %parallel_loop3A_266 = tpu.vector_load_idx %arg6[%parallel_loop3A_265] : memref<16384xf32, #tpu.memory_space<vmem>>[vector<16xi32>], vector<16xf32>,
        %parallel_loop3A_267 = arith.constant 0 : i32
        %parallel_loop3A_268 = arith.constant 1 : i32
        %parallel_loop3A_269 = arith.constant 0 : i32
        %parallel_loop3A_270 = arith.constant 0 : i32
        %parallel_loop3A_271 = arith.constant 0 : i32
        %parallel_loop3A_272 = arith.constant 0 : i32
        %parallel_loop3A_273 = tpu.memref_slice %arg7[%select_n3A_127, %parallel_loop3A_269, %parallel_loop3A_270, %parallel_loop3A_271, %parallel_loop3A_272] : memref<2x4x8x8x128xf32, #tpu.memory_space<vmem>> -> memref<1x4x8x8x128xf32, #tpu.memory_space<vmem>>
        %parallel_loop3A_274 = tpu.memref_squeeze %parallel_loop3A_273 : memref<1x4x8x8x128xf32, #tpu.memory_space<vmem>> -> memref<4x8x8x128xf32, #tpu.memory_space<vmem>>
        %parallel_loop3A_275 = arith.index_cast %parallel_loop3A_267 : i32 to index
        %parallel_loop3A_276 = arith.index_cast %parallel_loop3A_222 : i32 to index
        %parallel_loop3A_277 = arith.index_cast %parallel_loop3A_268 : i32 to index
        %parallel_loop3A_278 = arith.index_cast %parallel_loop3A_240 : i32 to index
        %parallel_loop3A_279 = tpu.vector_load %parallel_loop3A_274[%parallel_loop3A_275, %parallel_loop3A_276, %parallel_loop3A_277, %parallel_loop3A_278] {strides = array<i32>} : memref<4x8x8x128xf32, #tpu.memory_space<vmem>>, vector<16xf32>,
        tpu.vector_store %parallel_loop3A_274[%parallel_loop3A_275, %parallel_loop3A_276, %parallel_loop3A_277, %parallel_loop3A_278], %parallel_loop3A_266 {strides = array<i32>} : memref<4x8x8x128xf32, #tpu.memory_space<vmem>>, vector<16xf32>,
        %parallel_loop3A_280 = arith.constant 1024 : i32
        %parallel_loop3A_281 = vector.broadcast %parallel_loop3A_280 : i32 to vector<16xi32>
        %parallel_loop3A_282 = arith.addi %parallel_loop3A_245, %parallel_loop3A_281 : vector<16xi32>
        %parallel_loop3A_283 = tpu.vector_load_idx %arg6[%parallel_loop3A_282] : memref<16384xf32, #tpu.memory_space<vmem>>[vector<16xi32>], vector<16xf32>,
        %parallel_loop3A_284 = arith.constant 0 : i32
        %parallel_loop3A_285 = arith.constant 2 : i32
        %parallel_loop3A_286 = arith.constant 0 : i32
        %parallel_loop3A_287 = arith.constant 0 : i32
        %parallel_loop3A_288 = arith.constant 0 : i32
        %parallel_loop3A_289 = arith.constant 0 : i32
        %parallel_loop3A_290 = tpu.memref_slice %arg7[%select_n3A_127, %parallel_loop3A_286, %parallel_loop3A_287, %parallel_loop3A_288, %parallel_loop3A_289] : memref<2x4x8x8x128xf32, #tpu.memory_space<vmem>> -> memref<1x4x8x8x128xf32, #tpu.memory_space<vmem>>
        %parallel_loop3A_291 = tpu.memref_squeeze %parallel_loop3A_290 : memref<1x4x8x8x128xf32, #tpu.memory_space<vmem>> -> memref<4x8x8x128xf32, #tpu.memory_space<vmem>>
        %parallel_loop3A_292 = arith.index_cast %parallel_loop3A_284 : i32 to index
        %parallel_loop3A_293 = arith.index_cast %parallel_loop3A_222 : i32 to index
        %parallel_loop3A_294 = arith.index_cast %parallel_loop3A_285 : i32 to index
        %parallel_loop3A_295 = arith.index_cast %parallel_loop3A_240 : i32 to index
        %parallel_loop3A_296 = tpu.vector_load %parallel_loop3A_291[%parallel_loop3A_292, %parallel_loop3A_293, %parallel_loop3A_294, %parallel_loop3A_295] {strides = array<i32>} : memref<4x8x8x128xf32, #tpu.memory_space<vmem>>, vector<16xf32>,
        tpu.vector_store %parallel_loop3A_291[%parallel_loop3A_292, %parallel_loop3A_293, %parallel_loop3A_294, %parallel_loop3A_295], %parallel_loop3A_283 {strides = array<i32>} : memref<4x8x8x128xf32, #tpu.memory_space<vmem>>, vector<16xf32>,
        %parallel_loop3A_297 = arith.constant 1536 : i32
        %parallel_loop3A_298 = vector.broadcast %parallel_loop3A_297 : i32 to vector<16xi32>
        %parallel_loop3A_299 = arith.addi %parallel_loop3A_245, %parallel_loop3A_298 : vector<16xi32>
        %parallel_loop3A_300 = tpu.vector_load_idx %arg6[%parallel_loop3A_299] : memref<16384xf32, #tpu.memory_space<vmem>>[vector<16xi32>], vector<16xf32>,
        %parallel_loop3A_301 = arith.constant 0 : i32
        %parallel_loop3A_302 = arith.constant 3 : i32
        %parallel_loop3A_303 = arith.constant 0 : i32
        %parallel_loop3A_304 = arith.constant 0 : i32
        %parallel_loop3A_305 = arith.constant 0 : i32
        %parallel_loop3A_306 = arith.constant 0 : i32
        %parallel_loop3A_307 = tpu.memref_slice %arg7[%select_n3A_127, %parallel_loop3A_303, %parallel_loop3A_304, %parallel_loop3A_305, %parallel_loop3A_306] : memref<2x4x8x8x128xf32, #tpu.memory_space<vmem>> -> memref<1x4x8x8x128xf32, #tpu.memory_space<vmem>>
        %parallel_loop3A_308 = tpu.memref_squeeze %parallel_loop3A_307 : memref<1x4x8x8x128xf32, #tpu.memory_space<vmem>> -> memref<4x8x8x128xf32, #tpu.memory_space<vmem>>
        %parallel_loop3A_309 = arith.index_cast %parallel_loop3A_301 : i32 to index
        %parallel_loop3A_310 = arith.index_cast %parallel_loop3A_222 : i32 to index
        %parallel_loop3A_311 = arith.index_cast %parallel_loop3A_302 : i32 to index
        %parallel_loop3A_312 = arith.index_cast %parallel_loop3A_240 : i32 to index
        %parallel_loop3A_313 = tpu.vector_load %parallel_loop3A_308[%parallel_loop3A_309, %parallel_loop3A_310, %parallel_loop3A_311, %parallel_loop3A_312] {strides = array<i32>} : memref<4x8x8x128xf32, #tpu.memory_space<vmem>>, vector<16xf32>,
        tpu.vector_store %parallel_loop3A_308[%parallel_loop3A_309, %parallel_loop3A_310, %parallel_loop3A_311, %parallel_loop3A_312], %parallel_loop3A_300 {strides = array<i32>} : memref<4x8x8x128xf32, #tpu.memory_space<vmem>>, vector<16xf32>,
        %parallel_loop3A_314 = arith.constant 2048 : i32
        %parallel_loop3A_315 = vector.broadcast %parallel_loop3A_314 : i32 to vector<16xi32>
        %parallel_loop3A_316 = arith.addi %parallel_loop3A_245, %parallel_loop3A_315 : vector<16xi32>
        %parallel_loop3A_317 = tpu.vector_load_idx %arg6[%parallel_loop3A_316] : memref<16384xf32, #tpu.memory_space<vmem>>[vector<16xi32>], vector<16xf32>,
        %parallel_loop3A_318 = arith.constant 0 : i32
        %parallel_loop3A_319 = arith.constant 4 : i32
        %parallel_loop3A_320 = arith.constant 0 : i32
        %parallel_loop3A_321 = arith.constant 0 : i32
        %parallel_loop3A_322 = arith.constant 0 : i32
        %parallel_loop3A_323 = arith.constant 0 : i32
        %parallel_loop3A_324 = tpu.memref_slice %arg7[%select_n3A_127, %parallel_loop3A_320, %parallel_loop3A_321, %parallel_loop3A_322, %parallel_loop3A_323] : memref<2x4x8x8x128xf32, #tpu.memory_space<vmem>> -> memref<1x4x8x8x128xf32, #tpu.memory_space<vmem>>
        %parallel_loop3A_325 = tpu.memref_squeeze %parallel_loop3A_324 : memref<1x4x8x8x128xf32, #tpu.memory_space<vmem>> -> memref<4x8x8x128xf32, #tpu.memory_space<vmem>>
        %parallel_loop3A_326 = arith.index_cast %parallel_loop3A_318 : i32 to index
        %parallel_loop3A_327 = arith.index_cast %parallel_loop3A_222 : i32 to index
        %parallel_loop3A_328 = arith.index_cast %parallel_loop3A_319 : i32 to index
        %parallel_loop3A_329 = arith.index_cast %parallel_loop3A_240 : i32 to index
        %parallel_loop3A_330 = tpu.vector_load %parallel_loop3A_325[%parallel_loop3A_326, %parallel_loop3A_327, %parallel_loop3A_328, %parallel_loop3A_329] {strides = array<i32>} : memref<4x8x8x128xf32, #tpu.memory_space<vmem>>, vector<16xf32>,
        tpu.vector_store %parallel_loop3A_325[%parallel_loop3A_326, %parallel_loop3A_327, %parallel_loop3A_328, %parallel_loop3A_329], %parallel_loop3A_317 {strides = array<i32>} : memref<4x8x8x128xf32, #tpu.memory_space<vmem>>, vector<16xf32>,
        %parallel_loop3A_331 = arith.constant 2560 : i32
        %parallel_loop3A_332 = vector.broadcast %parallel_loop3A_331 : i32 to vector<16xi32>
        %parallel_loop3A_333 = arith.addi %parallel_loop3A_245, %parallel_loop3A_332 : vector<16xi32>
        %parallel_loop3A_334 = tpu.vector_load_idx %arg6[%parallel_loop3A_333] : memref<16384xf32, #tpu.memory_space<vmem>>[vector<16xi32>], vector<16xf32>,
        %parallel_loop3A_335 = arith.constant 0 : i32
        %parallel_loop3A_336 = arith.constant 5 : i32
        %parallel_loop3A_337 = arith.constant 0 : i32
        %parallel_loop3A_338 = arith.constant 0 : i32
        %parallel_loop3A_339 = arith.constant 0 : i32
        %parallel_loop3A_340 = arith.constant 0 : i32
        %parallel_loop3A_341 = tpu.memref_slice %arg7[%select_n3A_127, %parallel_loop3A_337, %parallel_loop3A_338, %parallel_loop3A_339, %parallel_loop3A_340] : memref<2x4x8x8x128xf32, #tpu.memory_space<vmem>> -> memref<1x4x8x8x128xf32, #tpu.memory_space<vmem>>
        %parallel_loop3A_342 = tpu.memref_squeeze %parallel_loop3A_341 : memref<1x4x8x8x128xf32, #tpu.memory_space<vmem>> -> memref<4x8x8x128xf32, #tpu.memory_space<vmem>>
        %parallel_loop3A_343 = arith.index_cast %parallel_loop3A_335 : i32 to index
        %parallel_loop3A_344 = arith.index_cast %parallel_loop3A_222 : i32 to index
        %parallel_loop3A_345 = arith.index_cast %parallel_loop3A_336 : i32 to index
        %parallel_loop3A_346 = arith.index_cast %parallel_loop3A_240 : i32 to index
        %parallel_loop3A_347 = tpu.vector_load %parallel_loop3A_342[%parallel_loop3A_343, %parallel_loop3A_344, %parallel_loop3A_345, %parallel_loop3A_346] {strides = array<i32>} : memref<4x8x8x128xf32, #tpu.memory_space<vmem>>, vector<16xf32>,
        tpu.vector_store %parallel_loop3A_342[%parallel_loop3A_343, %parallel_loop3A_344, %parallel_loop3A_345, %parallel_loop3A_346], %parallel_loop3A_334 {strides = array<i32>} : memref<4x8x8x128xf32, #tpu.memory_space<vmem>>, vector<16xf32>,
        %parallel_loop3A_348 = arith.constant 3072 : i32
        %parallel_loop3A_349 = vector.broadcast %parallel_loop3A_348 : i32 to vector<16xi32>
        %parallel_loop3A_350 = arith.addi %parallel_loop3A_245, %parallel_loop3A_349 : vector<16xi32>
        %parallel_loop3A_351 = tpu.vector_load_idx %arg6[%parallel_loop3A_350] : memref<16384xf32, #tpu.memory_space<vmem>>[vector<16xi32>], vector<16xf32>,
        %parallel_loop3A_352 = arith.constant 0 : i32
        %parallel_loop3A_353 = arith.constant 6 : i32
        %parallel_loop3A_354 = arith.constant 0 : i32
        %parallel_loop3A_355 = arith.constant 0 : i32
        %parallel_loop3A_356 = arith.constant 0 : i32
        %parallel_loop3A_357 = arith.constant 0 : i32
        %parallel_loop3A_358 = tpu.memref_slice %arg7[%select_n3A_127, %parallel_loop3A_354, %parallel_loop3A_355, %parallel_loop3A_356, %parallel_loop3A_357] : memref<2x4x8x8x128xf32, #tpu.memory_space<vmem>> -> memref<1x4x8x8x128xf32, #tpu.memory_space<vmem>>
        %parallel_loop3A_359 = tpu.memref_squeeze %parallel_loop3A_358 : memref<1x4x8x8x128xf32, #tpu.memory_space<vmem>> -> memref<4x8x8x128xf32, #tpu.memory_space<vmem>>
        %parallel_loop3A_360 = arith.index_cast %parallel_loop3A_352 : i32 to index
        %parallel_loop3A_361 = arith.index_cast %parallel_loop3A_222 : i32 to index
        %parallel_loop3A_362 = arith.index_cast %parallel_loop3A_353 : i32 to index
        %parallel_loop3A_363 = arith.index_cast %parallel_loop3A_240 : i32 to index
        %parallel_loop3A_364 = tpu.vector_load %parallel_loop3A_359[%parallel_loop3A_360, %parallel_loop3A_361, %parallel_loop3A_362, %parallel_loop3A_363] {strides = array<i32>} : memref<4x8x8x128xf32, #tpu.memory_space<vmem>>, vector<16xf32>,
        tpu.vector_store %parallel_loop3A_359[%parallel_loop3A_360, %parallel_loop3A_361, %parallel_loop3A_362, %parallel_loop3A_363], %parallel_loop3A_351 {strides = array<i32>} : memref<4x8x8x128xf32, #tpu.memory_space<vmem>>, vector<16xf32>,
        %parallel_loop3A_365 = arith.constant 3584 : i32
        %parallel_loop3A_366 = vector.broadcast %parallel_loop3A_365 : i32 to vector<16xi32>
        %parallel_loop3A_367 = arith.addi %parallel_loop3A_245, %parallel_loop3A_366 : vector<16xi32>
        %parallel_loop3A_368 = tpu.vector_load_idx %arg6[%parallel_loop3A_367] : memref<16384xf32, #tpu.memory_space<vmem>>[vector<16xi32>], vector<16xf32>,
        %parallel_loop3A_369 = arith.constant 0 : i32
        %parallel_loop3A_370 = arith.constant 7 : i32
        %parallel_loop3A_371 = arith.constant 0 : i32
        %parallel_loop3A_372 = arith.constant 0 : i32
        %parallel_loop3A_373 = arith.constant 0 : i32
        %parallel_loop3A_374 = arith.constant 0 : i32
        %parallel_loop3A_375 = tpu.memref_slice %arg7[%select_n3A_127, %parallel_loop3A_371, %parallel_loop3A_372, %parallel_loop3A_373, %parallel_loop3A_374] : memref<2x4x8x8x128xf32, #tpu.memory_space<vmem>> -> memref<1x4x8x8x128xf32, #tpu.memory_space<vmem>>
        %parallel_loop3A_376 = tpu.memref_squeeze %parallel_loop3A_375 : memref<1x4x8x8x128xf32, #tpu.memory_space<vmem>> -> memref<4x8x8x128xf32, #tpu.memory_space<vmem>>
        %parallel_loop3A_377 = arith.index_cast %parallel_loop3A_369 : i32 to index
        %parallel_loop3A_378 = arith.index_cast %parallel_loop3A_222 : i32 to index
        %parallel_loop3A_379 = arith.index_cast %parallel_loop3A_370 : i32 to index
        %parallel_loop3A_380 = arith.index_cast %parallel_loop3A_240 : i32 to index
        %parallel_loop3A_381 = tpu.vector_load %parallel_loop3A_376[%parallel_loop3A_377, %parallel_loop3A_378, %parallel_loop3A_379, %parallel_loop3A_380] {strides = array<i32>} : memref<4x8x8x128xf32, #tpu.memory_space<vmem>>, vector<16xf32>,
        tpu.vector_store %parallel_loop3A_376[%parallel_loop3A_377, %parallel_loop3A_378, %parallel_loop3A_379, %parallel_loop3A_380], %parallel_loop3A_368 {strides = array<i32>} : memref<4x8x8x128xf32, #tpu.memory_space<vmem>>, vector<16xf32>,
        %parallel_loop3A_382 = arith.constant 4096 : i32
        %parallel_loop3A_383 = vector.broadcast %parallel_loop3A_382 : i32 to vector<16xi32>
        %parallel_loop3A_384 = arith.addi %parallel_loop3A_245, %parallel_loop3A_383 : vector<16xi32>
        %parallel_loop3A_385 = tpu.vector_load_idx %arg6[%parallel_loop3A_384] : memref<16384xf32, #tpu.memory_space<vmem>>[vector<16xi32>], vector<16xf32>,
        %parallel_loop3A_386 = arith.constant 1 : i32
        %parallel_loop3A_387 = arith.constant 0 : i32
        %parallel_loop3A_388 = arith.constant 0 : i32
        %parallel_loop3A_389 = arith.constant 0 : i32
        %parallel_loop3A_390 = arith.constant 0 : i32
        %parallel_loop3A_391 = arith.constant 0 : i32
        %parallel_loop3A_392 = tpu.memref_slice %arg7[%select_n3A_127, %parallel_loop3A_388, %parallel_loop3A_389, %parallel_loop3A_390, %parallel_loop3A_391] : memref<2x4x8x8x128xf32, #tpu.memory_space<vmem>> -> memref<1x4x8x8x128xf32, #tpu.memory_space<vmem>>
        %parallel_loop3A_393 = tpu.memref_squeeze %parallel_loop3A_392 : memref<1x4x8x8x128xf32, #tpu.memory_space<vmem>> -> memref<4x8x8x128xf32, #tpu.memory_space<vmem>>
        %parallel_loop3A_394 = arith.index_cast %parallel_loop3A_386 : i32 to index
        %parallel_loop3A_395 = arith.index_cast %parallel_loop3A_222 : i32 to index
        %parallel_loop3A_396 = arith.index_cast %parallel_loop3A_387 : i32 to index
        %parallel_loop3A_397 = arith.index_cast %parallel_loop3A_240 : i32 to index
        %parallel_loop3A_398 = tpu.vector_load %parallel_loop3A_393[%parallel_loop3A_394, %parallel_loop3A_395, %parallel_loop3A_396, %parallel_loop3A_397] {strides = array<i32>} : memref<4x8x8x128xf32, #tpu.memory_space<vmem>>, vector<16xf32>,
        tpu.vector_store %parallel_loop3A_393[%parallel_loop3A_394, %parallel_loop3A_395, %parallel_loop3A_396, %parallel_loop3A_397], %parallel_loop3A_385 {strides = array<i32>} : memref<4x8x8x128xf32, #tpu.memory_space<vmem>>, vector<16xf32>,
        %parallel_loop3A_399 = arith.constant 4608 : i32
        %parallel_loop3A_400 = vector.broadcast %parallel_loop3A_399 : i32 to vector<16xi32>
        %parallel_loop3A_401 = arith.addi %parallel_loop3A_245, %parallel_loop3A_400 : vector<16xi32>
        %parallel_loop3A_402 = tpu.vector_load_idx %arg6[%parallel_loop3A_401] : memref<16384xf32, #tpu.memory_space<vmem>>[vector<16xi32>], vector<16xf32>,
        %parallel_loop3A_403 = arith.constant 1 : i32
        %parallel_loop3A_404 = arith.constant 1 : i32
        %parallel_loop3A_405 = arith.constant 0 : i32
        %parallel_loop3A_406 = arith.constant 0 : i32
        %parallel_loop3A_407 = arith.constant 0 : i32
        %parallel_loop3A_408 = arith.constant 0 : i32
        %parallel_loop3A_409 = tpu.memref_slice %arg7[%select_n3A_127, %parallel_loop3A_405, %parallel_loop3A_406, %parallel_loop3A_407, %parallel_loop3A_408] : memref<2x4x8x8x128xf32, #tpu.memory_space<vmem>> -> memref<1x4x8x8x128xf32, #tpu.memory_space<vmem>>
        %parallel_loop3A_410 = tpu.memref_squeeze %parallel_loop3A_409 : memref<1x4x8x8x128xf32, #tpu.memory_space<vmem>> -> memref<4x8x8x128xf32, #tpu.memory_space<vmem>>
        %parallel_loop3A_411 = arith.index_cast %parallel_loop3A_403 : i32 to index
        %parallel_loop3A_412 = arith.index_cast %parallel_loop3A_222 : i32 to index
        %parallel_loop3A_413 = arith.index_cast %parallel_loop3A_404 : i32 to index
        %parallel_loop3A_414 = arith.index_cast %parallel_loop3A_240 : i32 to index
        %parallel_loop3A_415 = tpu.vector_load %parallel_loop3A_410[%parallel_loop3A_411, %parallel_loop3A_412, %parallel_loop3A_413, %parallel_loop3A_414] {strides = array<i32>} : memref<4x8x8x128xf32, #tpu.memory_space<vmem>>, vector<16xf32>,
        tpu.vector_store %parallel_loop3A_410[%parallel_loop3A_411, %parallel_loop3A_412, %parallel_loop3A_413, %parallel_loop3A_414], %parallel_loop3A_402 {strides = array<i32>} : memref<4x8x8x128xf32, #tpu.memory_space<vmem>>, vector<16xf32>,
        %parallel_loop3A_416 = arith.constant 5120 : i32
        %parallel_loop3A_417 = vector.broadcast %parallel_loop3A_416 : i32 to vector<16xi32>
        %parallel_loop3A_418 = arith.addi %parallel_loop3A_245, %parallel_loop3A_417 : vector<16xi32>
        %parallel_loop3A_419 = tpu.vector_load_idx %arg6[%parallel_loop3A_418] : memref<16384xf32, #tpu.memory_space<vmem>>[vector<16xi32>], vector<16xf32>,
        %parallel_loop3A_420 = arith.constant 1 : i32
        %parallel_loop3A_421 = arith.constant 2 : i32
        %parallel_loop3A_422 = arith.constant 0 : i32
        %parallel_loop3A_423 = arith.constant 0 : i32
        %parallel_loop3A_424 = arith.constant 0 : i32
        %parallel_loop3A_425 = arith.constant 0 : i32
        %parallel_loop3A_426 = tpu.memref_slice %arg7[%select_n3A_127, %parallel_loop3A_422, %parallel_loop3A_423, %parallel_loop3A_424, %parallel_loop3A_425] : memref<2x4x8x8x128xf32, #tpu.memory_space<vmem>> -> memref<1x4x8x8x128xf32, #tpu.memory_space<vmem>>
        %parallel_loop3A_427 = tpu.memref_squeeze %parallel_loop3A_426 : memref<1x4x8x8x128xf32, #tpu.memory_space<vmem>> -> memref<4x8x8x128xf32, #tpu.memory_space<vmem>>
        %parallel_loop3A_428 = arith.index_cast %parallel_loop3A_420 : i32 to index
        %parallel_loop3A_429 = arith.index_cast %parallel_loop3A_222 : i32 to index
        %parallel_loop3A_430 = arith.index_cast %parallel_loop3A_421 : i32 to index
        %parallel_loop3A_431 = arith.index_cast %parallel_loop3A_240 : i32 to index
        %parallel_loop3A_432 = tpu.vector_load %parallel_loop3A_427[%parallel_loop3A_428, %parallel_loop3A_429, %parallel_loop3A_430, %parallel_loop3A_431] {strides = array<i32>} : memref<4x8x8x128xf32, #tpu.memory_space<vmem>>, vector<16xf32>,
        tpu.vector_store %parallel_loop3A_427[%parallel_loop3A_428, %parallel_loop3A_429, %parallel_loop3A_430, %parallel_loop3A_431], %parallel_loop3A_419 {strides = array<i32>} : memref<4x8x8x128xf32, #tpu.memory_space<vmem>>, vector<16xf32>,
        %parallel_loop3A_433 = arith.constant 5632 : i32
        %parallel_loop3A_434 = vector.broadcast %parallel_loop3A_433 : i32 to vector<16xi32>
        %parallel_loop3A_435 = arith.addi %parallel_loop3A_245, %parallel_loop3A_434 : vector<16xi32>
        %parallel_loop3A_436 = tpu.vector_load_idx %arg6[%parallel_loop3A_435] : memref<16384xf32, #tpu.memory_space<vmem>>[vector<16xi32>], vector<16xf32>,
        %parallel_loop3A_437 = arith.constant 1 : i32
        %parallel_loop3A_438 = arith.constant 3 : i32
        %parallel_loop3A_439 = arith.constant 0 : i32
        %parallel_loop3A_440 = arith.constant 0 : i32
        %parallel_loop3A_441 = arith.constant 0 : i32
        %parallel_loop3A_442 = arith.constant 0 : i32
        %parallel_loop3A_443 = tpu.memref_slice %arg7[%select_n3A_127, %parallel_loop3A_439, %parallel_loop3A_440, %parallel_loop3A_441, %parallel_loop3A_442] : memref<2x4x8x8x128xf32, #tpu.memory_space<vmem>> -> memref<1x4x8x8x128xf32, #tpu.memory_space<vmem>>
        %parallel_loop3A_444 = tpu.memref_squeeze %parallel_loop3A_443 : memref<1x4x8x8x128xf32, #tpu.memory_space<vmem>> -> memref<4x8x8x128xf32, #tpu.memory_space<vmem>>
        %parallel_loop3A_445 = arith.index_cast %parallel_loop3A_437 : i32 to index
        %parallel_loop3A_446 = arith.index_cast %parallel_loop3A_222 : i32 to index
        %parallel_loop3A_447 = arith.index_cast %parallel_loop3A_438 : i32 to index
        %parallel_loop3A_448 = arith.index_cast %parallel_loop3A_240 : i32 to index
        %parallel_loop3A_449 = tpu.vector_load %parallel_loop3A_444[%parallel_loop3A_445, %parallel_loop3A_446, %parallel_loop3A_447, %parallel_loop3A_448] {strides = array<i32>} : memref<4x8x8x128xf32, #tpu.memory_space<vmem>>, vector<16xf32>,
        tpu.vector_store %parallel_loop3A_444[%parallel_loop3A_445, %parallel_loop3A_446, %parallel_loop3A_447, %parallel_loop3A_448], %parallel_loop3A_436 {strides = array<i32>} : memref<4x8x8x128xf32, #tpu.memory_space<vmem>>, vector<16xf32>,
        %parallel_loop3A_450 = arith.constant 6144 : i32
        %parallel_loop3A_451 = vector.broadcast %parallel_loop3A_450 : i32 to vector<16xi32>
        %parallel_loop3A_452 = arith.addi %parallel_loop3A_245, %parallel_loop3A_451 : vector<16xi32>
        %parallel_loop3A_453 = tpu.vector_load_idx %arg6[%parallel_loop3A_452] : memref<16384xf32, #tpu.memory_space<vmem>>[vector<16xi32>], vector<16xf32>,
        %parallel_loop3A_454 = arith.constant 1 : i32
        %parallel_loop3A_455 = arith.constant 4 : i32
        %parallel_loop3A_456 = arith.constant 0 : i32
        %parallel_loop3A_457 = arith.constant 0 : i32
        %parallel_loop3A_458 = arith.constant 0 : i32
        %parallel_loop3A_459 = arith.constant 0 : i32
        %parallel_loop3A_460 = tpu.memref_slice %arg7[%select_n3A_127, %parallel_loop3A_456, %parallel_loop3A_457, %parallel_loop3A_458, %parallel_loop3A_459] : memref<2x4x8x8x128xf32, #tpu.memory_space<vmem>> -> memref<1x4x8x8x128xf32, #tpu.memory_space<vmem>>
        %parallel_loop3A_461 = tpu.memref_squeeze %parallel_loop3A_460 : memref<1x4x8x8x128xf32, #tpu.memory_space<vmem>> -> memref<4x8x8x128xf32, #tpu.memory_space<vmem>>
        %parallel_loop3A_462 = arith.index_cast %parallel_loop3A_454 : i32 to index
        %parallel_loop3A_463 = arith.index_cast %parallel_loop3A_222 : i32 to index
        %parallel_loop3A_464 = arith.index_cast %parallel_loop3A_455 : i32 to index
        %parallel_loop3A_465 = arith.index_cast %parallel_loop3A_240 : i32 to index
        %parallel_loop3A_466 = tpu.vector_load %parallel_loop3A_461[%parallel_loop3A_462, %parallel_loop3A_463, %parallel_loop3A_464, %parallel_loop3A_465] {strides = array<i32>} : memref<4x8x8x128xf32, #tpu.memory_space<vmem>>, vector<16xf32>,
        tpu.vector_store %parallel_loop3A_461[%parallel_loop3A_462, %parallel_loop3A_463, %parallel_loop3A_464, %parallel_loop3A_465], %parallel_loop3A_453 {strides = array<i32>} : memref<4x8x8x128xf32, #tpu.memory_space<vmem>>, vector<16xf32>,
        %parallel_loop3A_467 = arith.constant 6656 : i32
        %parallel_loop3A_468 = vector.broadcast %parallel_loop3A_467 : i32 to vector<16xi32>
        %parallel_loop3A_469 = arith.addi %parallel_loop3A_245, %parallel_loop3A_468 : vector<16xi32>
        %parallel_loop3A_470 = tpu.vector_load_idx %arg6[%parallel_loop3A_469] : memref<16384xf32, #tpu.memory_space<vmem>>[vector<16xi32>], vector<16xf32>,
        %parallel_loop3A_471 = arith.constant 1 : i32
        %parallel_loop3A_472 = arith.constant 5 : i32
        %parallel_loop3A_473 = arith.constant 0 : i32
        %parallel_loop3A_474 = arith.constant 0 : i32
        %parallel_loop3A_475 = arith.constant 0 : i32
        %parallel_loop3A_476 = arith.constant 0 : i32
        %parallel_loop3A_477 = tpu.memref_slice %arg7[%select_n3A_127, %parallel_loop3A_473, %parallel_loop3A_474, %parallel_loop3A_475, %parallel_loop3A_476] : memref<2x4x8x8x128xf32, #tpu.memory_space<vmem>> -> memref<1x4x8x8x128xf32, #tpu.memory_space<vmem>>
        %parallel_loop3A_478 = tpu.memref_squeeze %parallel_loop3A_477 : memref<1x4x8x8x128xf32, #tpu.memory_space<vmem>> -> memref<4x8x8x128xf32, #tpu.memory_space<vmem>>
        %parallel_loop3A_479 = arith.index_cast %parallel_loop3A_471 : i32 to index
        %parallel_loop3A_480 = arith.index_cast %parallel_loop3A_222 : i32 to index
        %parallel_loop3A_481 = arith.index_cast %parallel_loop3A_472 : i32 to index
        %parallel_loop3A_482 = arith.index_cast %parallel_loop3A_240 : i32 to index
        %parallel_loop3A_483 = tpu.vector_load %parallel_loop3A_478[%parallel_loop3A_479, %parallel_loop3A_480, %parallel_loop3A_481, %parallel_loop3A_482] {strides = array<i32>} : memref<4x8x8x128xf32, #tpu.memory_space<vmem>>, vector<16xf32>,
        tpu.vector_store %parallel_loop3A_478[%parallel_loop3A_479, %parallel_loop3A_480, %parallel_loop3A_481, %parallel_loop3A_482], %parallel_loop3A_470 {strides = array<i32>} : memref<4x8x8x128xf32, #tpu.memory_space<vmem>>, vector<16xf32>,
        %parallel_loop3A_484 = arith.constant 7168 : i32
        %parallel_loop3A_485 = vector.broadcast %parallel_loop3A_484 : i32 to vector<16xi32>
        %parallel_loop3A_486 = arith.addi %parallel_loop3A_245, %parallel_loop3A_485 : vector<16xi32>
        %parallel_loop3A_487 = tpu.vector_load_idx %arg6[%parallel_loop3A_486] : memref<16384xf32, #tpu.memory_space<vmem>>[vector<16xi32>], vector<16xf32>,
        %parallel_loop3A_488 = arith.constant 1 : i32
        %parallel_loop3A_489 = arith.constant 6 : i32
        %parallel_loop3A_490 = arith.constant 0 : i32
        %parallel_loop3A_491 = arith.constant 0 : i32
        %parallel_loop3A_492 = arith.constant 0 : i32
        %parallel_loop3A_493 = arith.constant 0 : i32
        %parallel_loop3A_494 = tpu.memref_slice %arg7[%select_n3A_127, %parallel_loop3A_490, %parallel_loop3A_491, %parallel_loop3A_492, %parallel_loop3A_493] : memref<2x4x8x8x128xf32, #tpu.memory_space<vmem>> -> memref<1x4x8x8x128xf32, #tpu.memory_space<vmem>>
        %parallel_loop3A_495 = tpu.memref_squeeze %parallel_loop3A_494 : memref<1x4x8x8x128xf32, #tpu.memory_space<vmem>> -> memref<4x8x8x128xf32, #tpu.memory_space<vmem>>
        %parallel_loop3A_496 = arith.index_cast %parallel_loop3A_488 : i32 to index
        %parallel_loop3A_497 = arith.index_cast %parallel_loop3A_222 : i32 to index
        %parallel_loop3A_498 = arith.index_cast %parallel_loop3A_489 : i32 to index
        %parallel_loop3A_499 = arith.index_cast %parallel_loop3A_240 : i32 to index
        %parallel_loop3A_500 = tpu.vector_load %parallel_loop3A_495[%parallel_loop3A_496, %parallel_loop3A_497, %parallel_loop3A_498, %parallel_loop3A_499] {strides = array<i32>} : memref<4x8x8x128xf32, #tpu.memory_space<vmem>>, vector<16xf32>,
        tpu.vector_store %parallel_loop3A_495[%parallel_loop3A_496, %parallel_loop3A_497, %parallel_loop3A_498, %parallel_loop3A_499], %parallel_loop3A_487 {strides = array<i32>} : memref<4x8x8x128xf32, #tpu.memory_space<vmem>>, vector<16xf32>,
        %parallel_loop3A_501 = arith.constant 7680 : i32
        %parallel_loop3A_502 = vector.broadcast %parallel_loop3A_501 : i32 to vector<16xi32>
        %parallel_loop3A_503 = arith.addi %parallel_loop3A_245, %parallel_loop3A_502 : vector<16xi32>
        %parallel_loop3A_504 = tpu.vector_load_idx %arg6[%parallel_loop3A_503] : memref<16384xf32, #tpu.memory_space<vmem>>[vector<16xi32>], vector<16xf32>,
        %parallel_loop3A_505 = arith.constant 1 : i32
        %parallel_loop3A_506 = arith.constant 7 : i32
        %parallel_loop3A_507 = arith.constant 0 : i32
        %parallel_loop3A_508 = arith.constant 0 : i32
        %parallel_loop3A_509 = arith.constant 0 : i32
        %parallel_loop3A_510 = arith.constant 0 : i32
        %parallel_loop3A_511 = tpu.memref_slice %arg7[%select_n3A_127, %parallel_loop3A_507, %parallel_loop3A_508, %parallel_loop3A_509, %parallel_loop3A_510] : memref<2x4x8x8x128xf32, #tpu.memory_space<vmem>> -> memref<1x4x8x8x128xf32, #tpu.memory_space<vmem>>
        %parallel_loop3A_512 = tpu.memref_squeeze %parallel_loop3A_511 : memref<1x4x8x8x128xf32, #tpu.memory_space<vmem>> -> memref<4x8x8x128xf32, #tpu.memory_space<vmem>>
        %parallel_loop3A_513 = arith.index_cast %parallel_loop3A_505 : i32 to index
        %parallel_loop3A_514 = arith.index_cast %parallel_loop3A_222 : i32 to index
        %parallel_loop3A_515 = arith.index_cast %parallel_loop3A_506 : i32 to index
        %parallel_loop3A_516 = arith.index_cast %parallel_loop3A_240 : i32 to index
        %parallel_loop3A_517 = tpu.vector_load %parallel_loop3A_512[%parallel_loop3A_513, %parallel_loop3A_514, %parallel_loop3A_515, %parallel_loop3A_516] {strides = array<i32>} : memref<4x8x8x128xf32, #tpu.memory_space<vmem>>, vector<16xf32>,
        tpu.vector_store %parallel_loop3A_512[%parallel_loop3A_513, %parallel_loop3A_514, %parallel_loop3A_515, %parallel_loop3A_516], %parallel_loop3A_504 {strides = array<i32>} : memref<4x8x8x128xf32, #tpu.memory_space<vmem>>, vector<16xf32>,
        %parallel_loop3A_518 = arith.constant 8192 : i32
        %parallel_loop3A_519 = vector.broadcast %parallel_loop3A_518 : i32 to vector<16xi32>
        %parallel_loop3A_520 = arith.addi %parallel_loop3A_245, %parallel_loop3A_519 : vector<16xi32>
        %parallel_loop3A_521 = tpu.vector_load_idx %arg6[%parallel_loop3A_520] : memref<16384xf32, #tpu.memory_space<vmem>>[vector<16xi32>], vector<16xf32>,
        %parallel_loop3A_522 = arith.constant 2 : i32
        %parallel_loop3A_523 = arith.constant 0 : i32
        %parallel_loop3A_524 = arith.constant 0 : i32
        %parallel_loop3A_525 = arith.constant 0 : i32
        %parallel_loop3A_526 = arith.constant 0 : i32
        %parallel_loop3A_527 = arith.constant 0 : i32
        %parallel_loop3A_528 = tpu.memref_slice %arg7[%select_n3A_127, %parallel_loop3A_524, %parallel_loop3A_525, %parallel_loop3A_526, %parallel_loop3A_527] : memref<2x4x8x8x128xf32, #tpu.memory_space<vmem>> -> memref<1x4x8x8x128xf32, #tpu.memory_space<vmem>>
        %parallel_loop3A_529 = tpu.memref_squeeze %parallel_loop3A_528 : memref<1x4x8x8x128xf32, #tpu.memory_space<vmem>> -> memref<4x8x8x128xf32, #tpu.memory_space<vmem>>
        %parallel_loop3A_530 = arith.index_cast %parallel_loop3A_522 : i32 to index
        %parallel_loop3A_531 = arith.index_cast %parallel_loop3A_222 : i32 to index
        %parallel_loop3A_532 = arith.index_cast %parallel_loop3A_523 : i32 to index
        %parallel_loop3A_533 = arith.index_cast %parallel_loop3A_240 : i32 to index
        %parallel_loop3A_534 = tpu.vector_load %parallel_loop3A_529[%parallel_loop3A_530, %parallel_loop3A_531, %parallel_loop3A_532, %parallel_loop3A_533] {strides = array<i32>} : memref<4x8x8x128xf32, #tpu.memory_space<vmem>>, vector<16xf32>,
        tpu.vector_store %parallel_loop3A_529[%parallel_loop3A_530, %parallel_loop3A_531, %parallel_loop3A_532, %parallel_loop3A_533], %parallel_loop3A_521 {strides = array<i32>} : memref<4x8x8x128xf32, #tpu.memory_space<vmem>>, vector<16xf32>,
        %parallel_loop3A_535 = arith.constant 8704 : i32
        %parallel_loop3A_536 = vector.broadcast %parallel_loop3A_535 : i32 to vector<16xi32>
        %parallel_loop3A_537 = arith.addi %parallel_loop3A_245, %parallel_loop3A_536 : vector<16xi32>
        %parallel_loop3A_538 = tpu.vector_load_idx %arg6[%parallel_loop3A_537] : memref<16384xf32, #tpu.memory_space<vmem>>[vector<16xi32>], vector<16xf32>,
        %parallel_loop3A_539 = arith.constant 2 : i32
        %parallel_loop3A_540 = arith.constant 1 : i32
        %parallel_loop3A_541 = arith.constant 0 : i32
        %parallel_loop3A_542 = arith.constant 0 : i32
        %parallel_loop3A_543 = arith.constant 0 : i32
        %parallel_loop3A_544 = arith.constant 0 : i32
        %parallel_loop3A_545 = tpu.memref_slice %arg7[%select_n3A_127, %parallel_loop3A_541, %parallel_loop3A_542, %parallel_loop3A_543, %parallel_loop3A_544] : memref<2x4x8x8x128xf32, #tpu.memory_space<vmem>> -> memref<1x4x8x8x128xf32, #tpu.memory_space<vmem>>
        %parallel_loop3A_546 = tpu.memref_squeeze %parallel_loop3A_545 : memref<1x4x8x8x128xf32, #tpu.memory_space<vmem>> -> memref<4x8x8x128xf32, #tpu.memory_space<vmem>>
        %parallel_loop3A_547 = arith.index_cast %parallel_loop3A_539 : i32 to index
        %parallel_loop3A_548 = arith.index_cast %parallel_loop3A_222 : i32 to index
        %parallel_loop3A_549 = arith.index_cast %parallel_loop3A_540 : i32 to index
        %parallel_loop3A_550 = arith.index_cast %parallel_loop3A_240 : i32 to index
        %parallel_loop3A_551 = tpu.vector_load %parallel_loop3A_546[%parallel_loop3A_547, %parallel_loop3A_548, %parallel_loop3A_549, %parallel_loop3A_550] {strides = array<i32>} : memref<4x8x8x128xf32, #tpu.memory_space<vmem>>, vector<16xf32>,
        tpu.vector_store %parallel_loop3A_546[%parallel_loop3A_547, %parallel_loop3A_548, %parallel_loop3A_549, %parallel_loop3A_550], %parallel_loop3A_538 {strides = array<i32>} : memref<4x8x8x128xf32, #tpu.memory_space<vmem>>, vector<16xf32>,
        %parallel_loop3A_552 = arith.constant 9216 : i32
        %parallel_loop3A_553 = vector.broadcast %parallel_loop3A_552 : i32 to vector<16xi32>
        %parallel_loop3A_554 = arith.addi %parallel_loop3A_245, %parallel_loop3A_553 : vector<16xi32>
        %parallel_loop3A_555 = tpu.vector_load_idx %arg6[%parallel_loop3A_554] : memref<16384xf32, #tpu.memory_space<vmem>>[vector<16xi32>], vector<16xf32>,
        %parallel_loop3A_556 = arith.constant 2 : i32
        %parallel_loop3A_557 = arith.constant 2 : i32
        %parallel_loop3A_558 = arith.constant 0 : i32
        %parallel_loop3A_559 = arith.constant 0 : i32
        %parallel_loop3A_560 = arith.constant 0 : i32
        %parallel_loop3A_561 = arith.constant 0 : i32
        %parallel_loop3A_562 = tpu.memref_slice %arg7[%select_n3A_127, %parallel_loop3A_558, %parallel_loop3A_559, %parallel_loop3A_560, %parallel_loop3A_561] : memref<2x4x8x8x128xf32, #tpu.memory_space<vmem>> -> memref<1x4x8x8x128xf32, #tpu.memory_space<vmem>>
        %parallel_loop3A_563 = tpu.memref_squeeze %parallel_loop3A_562 : memref<1x4x8x8x128xf32, #tpu.memory_space<vmem>> -> memref<4x8x8x128xf32, #tpu.memory_space<vmem>>
        %parallel_loop3A_564 = arith.index_cast %parallel_loop3A_556 : i32 to index
        %parallel_loop3A_565 = arith.index_cast %parallel_loop3A_222 : i32 to index
        %parallel_loop3A_566 = arith.index_cast %parallel_loop3A_557 : i32 to index
        %parallel_loop3A_567 = arith.index_cast %parallel_loop3A_240 : i32 to index
        %parallel_loop3A_568 = tpu.vector_load %parallel_loop3A_563[%parallel_loop3A_564, %parallel_loop3A_565, %parallel_loop3A_566, %parallel_loop3A_567] {strides = array<i32>} : memref<4x8x8x128xf32, #tpu.memory_space<vmem>>, vector<16xf32>,
        tpu.vector_store %parallel_loop3A_563[%parallel_loop3A_564, %parallel_loop3A_565, %parallel_loop3A_566, %parallel_loop3A_567], %parallel_loop3A_555 {strides = array<i32>} : memref<4x8x8x128xf32, #tpu.memory_space<vmem>>, vector<16xf32>,
        %parallel_loop3A_569 = arith.constant 9728 : i32
        %parallel_loop3A_570 = vector.broadcast %parallel_loop3A_569 : i32 to vector<16xi32>
        %parallel_loop3A_571 = arith.addi %parallel_loop3A_245, %parallel_loop3A_570 : vector<16xi32>
        %parallel_loop3A_572 = tpu.vector_load_idx %arg6[%parallel_loop3A_571] : memref<16384xf32, #tpu.memory_space<vmem>>[vector<16xi32>], vector<16xf32>,
        %parallel_loop3A_573 = arith.constant 2 : i32
        %parallel_loop3A_574 = arith.constant 3 : i32
        %parallel_loop3A_575 = arith.constant 0 : i32
        %parallel_loop3A_576 = arith.constant 0 : i32
        %parallel_loop3A_577 = arith.constant 0 : i32
        %parallel_loop3A_578 = arith.constant 0 : i32
        %parallel_loop3A_579 = tpu.memref_slice %arg7[%select_n3A_127, %parallel_loop3A_575, %parallel_loop3A_576, %parallel_loop3A_577, %parallel_loop3A_578] : memref<2x4x8x8x128xf32, #tpu.memory_space<vmem>> -> memref<1x4x8x8x128xf32, #tpu.memory_space<vmem>>
        %parallel_loop3A_580 = tpu.memref_squeeze %parallel_loop3A_579 : memref<1x4x8x8x128xf32, #tpu.memory_space<vmem>> -> memref<4x8x8x128xf32, #tpu.memory_space<vmem>>
        %parallel_loop3A_581 = arith.index_cast %parallel_loop3A_573 : i32 to index
        %parallel_loop3A_582 = arith.index_cast %parallel_loop3A_222 : i32 to index
        %parallel_loop3A_583 = arith.index_cast %parallel_loop3A_574 : i32 to index
        %parallel_loop3A_584 = arith.index_cast %parallel_loop3A_240 : i32 to index
        %parallel_loop3A_585 = tpu.vector_load %parallel_loop3A_580[%parallel_loop3A_581, %parallel_loop3A_582, %parallel_loop3A_583, %parallel_loop3A_584] {strides = array<i32>} : memref<4x8x8x128xf32, #tpu.memory_space<vmem>>, vector<16xf32>,
        tpu.vector_store %parallel_loop3A_580[%parallel_loop3A_581, %parallel_loop3A_582, %parallel_loop3A_583, %parallel_loop3A_584], %parallel_loop3A_572 {strides = array<i32>} : memref<4x8x8x128xf32, #tpu.memory_space<vmem>>, vector<16xf32>,
        %parallel_loop3A_586 = arith.constant 10240 : i32
        %parallel_loop3A_587 = vector.broadcast %parallel_loop3A_586 : i32 to vector<16xi32>
        %parallel_loop3A_588 = arith.addi %parallel_loop3A_245, %parallel_loop3A_587 : vector<16xi32>
        %parallel_loop3A_589 = tpu.vector_load_idx %arg6[%parallel_loop3A_588] : memref<16384xf32, #tpu.memory_space<vmem>>[vector<16xi32>], vector<16xf32>,
        %parallel_loop3A_590 = arith.constant 2 : i32
        %parallel_loop3A_591 = arith.constant 4 : i32
        %parallel_loop3A_592 = arith.constant 0 : i32
        %parallel_loop3A_593 = arith.constant 0 : i32
        %parallel_loop3A_594 = arith.constant 0 : i32
        %parallel_loop3A_595 = arith.constant 0 : i32
        %parallel_loop3A_596 = tpu.memref_slice %arg7[%select_n3A_127, %parallel_loop3A_592, %parallel_loop3A_593, %parallel_loop3A_594, %parallel_loop3A_595] : memref<2x4x8x8x128xf32, #tpu.memory_space<vmem>> -> memref<1x4x8x8x128xf32, #tpu.memory_space<vmem>>
        %parallel_loop3A_597 = tpu.memref_squeeze %parallel_loop3A_596 : memref<1x4x8x8x128xf32, #tpu.memory_space<vmem>> -> memref<4x8x8x128xf32, #tpu.memory_space<vmem>>
        %parallel_loop3A_598 = arith.index_cast %parallel_loop3A_590 : i32 to index
        %parallel_loop3A_599 = arith.index_cast %parallel_loop3A_222 : i32 to index
        %parallel_loop3A_600 = arith.index_cast %parallel_loop3A_591 : i32 to index
        %parallel_loop3A_601 = arith.index_cast %parallel_loop3A_240 : i32 to index
        %parallel_loop3A_602 = tpu.vector_load %parallel_loop3A_597[%parallel_loop3A_598, %parallel_loop3A_599, %parallel_loop3A_600, %parallel_loop3A_601] {strides = array<i32>} : memref<4x8x8x128xf32, #tpu.memory_space<vmem>>, vector<16xf32>,
        tpu.vector_store %parallel_loop3A_597[%parallel_loop3A_598, %parallel_loop3A_599, %parallel_loop3A_600, %parallel_loop3A_601], %parallel_loop3A_589 {strides = array<i32>} : memref<4x8x8x128xf32, #tpu.memory_space<vmem>>, vector<16xf32>,
        %parallel_loop3A_603 = arith.constant 10752 : i32
        %parallel_loop3A_604 = vector.broadcast %parallel_loop3A_603 : i32 to vector<16xi32>
        %parallel_loop3A_605 = arith.addi %parallel_loop3A_245, %parallel_loop3A_604 : vector<16xi32>
        %parallel_loop3A_606 = tpu.vector_load_idx %arg6[%parallel_loop3A_605] : memref<16384xf32, #tpu.memory_space<vmem>>[vector<16xi32>], vector<16xf32>,
        %parallel_loop3A_607 = arith.constant 2 : i32
        %parallel_loop3A_608 = arith.constant 5 : i32
        %parallel_loop3A_609 = arith.constant 0 : i32
        %parallel_loop3A_610 = arith.constant 0 : i32
        %parallel_loop3A_611 = arith.constant 0 : i32
        %parallel_loop3A_612 = arith.constant 0 : i32
        %parallel_loop3A_613 = tpu.memref_slice %arg7[%select_n3A_127, %parallel_loop3A_609, %parallel_loop3A_610, %parallel_loop3A_611, %parallel_loop3A_612] : memref<2x4x8x8x128xf32, #tpu.memory_space<vmem>> -> memref<1x4x8x8x128xf32, #tpu.memory_space<vmem>>
        %parallel_loop3A_614 = tpu.memref_squeeze %parallel_loop3A_613 : memref<1x4x8x8x128xf32, #tpu.memory_space<vmem>> -> memref<4x8x8x128xf32, #tpu.memory_space<vmem>>
        %parallel_loop3A_615 = arith.index_cast %parallel_loop3A_607 : i32 to index
        %parallel_loop3A_616 = arith.index_cast %parallel_loop3A_222 : i32 to index
        %parallel_loop3A_617 = arith.index_cast %parallel_loop3A_608 : i32 to index
        %parallel_loop3A_618 = arith.index_cast %parallel_loop3A_240 : i32 to index
        %parallel_loop3A_619 = tpu.vector_load %parallel_loop3A_614[%parallel_loop3A_615, %parallel_loop3A_616, %parallel_loop3A_617, %parallel_loop3A_618] {strides = array<i32>} : memref<4x8x8x128xf32, #tpu.memory_space<vmem>>, vector<16xf32>,
        tpu.vector_store %parallel_loop3A_614[%parallel_loop3A_615, %parallel_loop3A_616, %parallel_loop3A_617, %parallel_loop3A_618], %parallel_loop3A_606 {strides = array<i32>} : memref<4x8x8x128xf32, #tpu.memory_space<vmem>>, vector<16xf32>,
        %parallel_loop3A_620 = arith.constant 11264 : i32
        %parallel_loop3A_621 = vector.broadcast %parallel_loop3A_620 : i32 to vector<16xi32>
        %parallel_loop3A_622 = arith.addi %parallel_loop3A_245, %parallel_loop3A_621 : vector<16xi32>
        %parallel_loop3A_623 = tpu.vector_load_idx %arg6[%parallel_loop3A_622] : memref<16384xf32, #tpu.memory_space<vmem>>[vector<16xi32>], vector<16xf32>,
        %parallel_loop3A_624 = arith.constant 2 : i32
        %parallel_loop3A_625 = arith.constant 6 : i32
        %parallel_loop3A_626 = arith.constant 0 : i32
        %parallel_loop3A_627 = arith.constant 0 : i32
        %parallel_loop3A_628 = arith.constant 0 : i32
        %parallel_loop3A_629 = arith.constant 0 : i32
        %parallel_loop3A_630 = tpu.memref_slice %arg7[%select_n3A_127, %parallel_loop3A_626, %parallel_loop3A_627, %parallel_loop3A_628, %parallel_loop3A_629] : memref<2x4x8x8x128xf32, #tpu.memory_space<vmem>> -> memref<1x4x8x8x128xf32, #tpu.memory_space<vmem>>
        %parallel_loop3A_631 = tpu.memref_squeeze %parallel_loop3A_630 : memref<1x4x8x8x128xf32, #tpu.memory_space<vmem>> -> memref<4x8x8x128xf32, #tpu.memory_space<vmem>>
        %parallel_loop3A_632 = arith.index_cast %parallel_loop3A_624 : i32 to index
        %parallel_loop3A_633 = arith.index_cast %parallel_loop3A_222 : i32 to index
        %parallel_loop3A_634 = arith.index_cast %parallel_loop3A_625 : i32 to index
        %parallel_loop3A_635 = arith.index_cast %parallel_loop3A_240 : i32 to index
        %parallel_loop3A_636 = tpu.vector_load %parallel_loop3A_631[%parallel_loop3A_632, %parallel_loop3A_633, %parallel_loop3A_634, %parallel_loop3A_635] {strides = array<i32>} : memref<4x8x8x128xf32, #tpu.memory_space<vmem>>, vector<16xf32>,
        tpu.vector_store %parallel_loop3A_631[%parallel_loop3A_632, %parallel_loop3A_633, %parallel_loop3A_634, %parallel_loop3A_635], %parallel_loop3A_623 {strides = array<i32>} : memref<4x8x8x128xf32, #tpu.memory_space<vmem>>, vector<16xf32>,
        %parallel_loop3A_637 = arith.constant 11776 : i32
        %parallel_loop3A_638 = vector.broadcast %parallel_loop3A_637 : i32 to vector<16xi32>
        %parallel_loop3A_639 = arith.addi %parallel_loop3A_245, %parallel_loop3A_638 : vector<16xi32>
        %parallel_loop3A_640 = tpu.vector_load_idx %arg6[%parallel_loop3A_639] : memref<16384xf32, #tpu.memory_space<vmem>>[vector<16xi32>], vector<16xf32>,
        %parallel_loop3A_641 = arith.constant 2 : i32
        %parallel_loop3A_642 = arith.constant 7 : i32
        %parallel_loop3A_643 = arith.constant 0 : i32
        %parallel_loop3A_644 = arith.constant 0 : i32
        %parallel_loop3A_645 = arith.constant 0 : i32
        %parallel_loop3A_646 = arith.constant 0 : i32
        %parallel_loop3A_647 = tpu.memref_slice %arg7[%select_n3A_127, %parallel_loop3A_643, %parallel_loop3A_644, %parallel_loop3A_645, %parallel_loop3A_646] : memref<2x4x8x8x128xf32, #tpu.memory_space<vmem>> -> memref<1x4x8x8x128xf32, #tpu.memory_space<vmem>>
        %parallel_loop3A_648 = tpu.memref_squeeze %parallel_loop3A_647 : memref<1x4x8x8x128xf32, #tpu.memory_space<vmem>> -> memref<4x8x8x128xf32, #tpu.memory_space<vmem>>
        %parallel_loop3A_649 = arith.index_cast %parallel_loop3A_641 : i32 to index
        %parallel_loop3A_650 = arith.index_cast %parallel_loop3A_222 : i32 to index
        %parallel_loop3A_651 = arith.index_cast %parallel_loop3A_642 : i32 to index
        %parallel_loop3A_652 = arith.index_cast %parallel_loop3A_240 : i32 to index
        %parallel_loop3A_653 = tpu.vector_load %parallel_loop3A_648[%parallel_loop3A_649, %parallel_loop3A_650, %parallel_loop3A_651, %parallel_loop3A_652] {strides = array<i32>} : memref<4x8x8x128xf32, #tpu.memory_space<vmem>>, vector<16xf32>,
        tpu.vector_store %parallel_loop3A_648[%parallel_loop3A_649, %parallel_loop3A_650, %parallel_loop3A_651, %parallel_loop3A_652], %parallel_loop3A_640 {strides = array<i32>} : memref<4x8x8x128xf32, #tpu.memory_space<vmem>>, vector<16xf32>,
        %parallel_loop3A_654 = arith.constant 12288 : i32
        %parallel_loop3A_655 = vector.broadcast %parallel_loop3A_654 : i32 to vector<16xi32>
        %parallel_loop3A_656 = arith.addi %parallel_loop3A_245, %parallel_loop3A_655 : vector<16xi32>
        %parallel_loop3A_657 = tpu.vector_load_idx %arg6[%parallel_loop3A_656] : memref<16384xf32, #tpu.memory_space<vmem>>[vector<16xi32>], vector<16xf32>,
        %parallel_loop3A_658 = arith.constant 3 : i32
        %parallel_loop3A_659 = arith.constant 0 : i32
        %parallel_loop3A_660 = arith.constant 0 : i32
        %parallel_loop3A_661 = arith.constant 0 : i32
        %parallel_loop3A_662 = arith.constant 0 : i32
        %parallel_loop3A_663 = arith.constant 0 : i32
        %parallel_loop3A_664 = tpu.memref_slice %arg7[%select_n3A_127, %parallel_loop3A_660, %parallel_loop3A_661, %parallel_loop3A_662, %parallel_loop3A_663] : memref<2x4x8x8x128xf32, #tpu.memory_space<vmem>> -> memref<1x4x8x8x128xf32, #tpu.memory_space<vmem>>
        %parallel_loop3A_665 = tpu.memref_squeeze %parallel_loop3A_664 : memref<1x4x8x8x128xf32, #tpu.memory_space<vmem>> -> memref<4x8x8x128xf32, #tpu.memory_space<vmem>>
        %parallel_loop3A_666 = arith.index_cast %parallel_loop3A_658 : i32 to index
        %parallel_loop3A_667 = arith.index_cast %parallel_loop3A_222 : i32 to index
        %parallel_loop3A_668 = arith.index_cast %parallel_loop3A_659 : i32 to index
        %parallel_loop3A_669 = arith.index_cast %parallel_loop3A_240 : i32 to index
        %parallel_loop3A_670 = tpu.vector_load %parallel_loop3A_665[%parallel_loop3A_666, %parallel_loop3A_667, %parallel_loop3A_668, %parallel_loop3A_669] {strides = array<i32>} : memref<4x8x8x128xf32, #tpu.memory_space<vmem>>, vector<16xf32>,
        tpu.vector_store %parallel_loop3A_665[%parallel_loop3A_666, %parallel_loop3A_667, %parallel_loop3A_668, %parallel_loop3A_669], %parallel_loop3A_657 {strides = array<i32>} : memref<4x8x8x128xf32, #tpu.memory_space<vmem>>, vector<16xf32>,
        %parallel_loop3A_671 = arith.constant 12800 : i32
        %parallel_loop3A_672 = vector.broadcast %parallel_loop3A_671 : i32 to vector<16xi32>
        %parallel_loop3A_673 = arith.addi %parallel_loop3A_245, %parallel_loop3A_672 : vector<16xi32>
        %parallel_loop3A_674 = tpu.vector_load_idx %arg6[%parallel_loop3A_673] : memref<16384xf32, #tpu.memory_space<vmem>>[vector<16xi32>], vector<16xf32>,
        %parallel_loop3A_675 = arith.constant 3 : i32
        %parallel_loop3A_676 = arith.constant 1 : i32
        %parallel_loop3A_677 = arith.constant 0 : i32
        %parallel_loop3A_678 = arith.constant 0 : i32
        %parallel_loop3A_679 = arith.constant 0 : i32
        %parallel_loop3A_680 = arith.constant 0 : i32
        %parallel_loop3A_681 = tpu.memref_slice %arg7[%select_n3A_127, %parallel_loop3A_677, %parallel_loop3A_678, %parallel_loop3A_679, %parallel_loop3A_680] : memref<2x4x8x8x128xf32, #tpu.memory_space<vmem>> -> memref<1x4x8x8x128xf32, #tpu.memory_space<vmem>>
        %parallel_loop3A_682 = tpu.memref_squeeze %parallel_loop3A_681 : memref<1x4x8x8x128xf32, #tpu.memory_space<vmem>> -> memref<4x8x8x128xf32, #tpu.memory_space<vmem>>
        %parallel_loop3A_683 = arith.index_cast %parallel_loop3A_675 : i32 to index
        %parallel_loop3A_684 = arith.index_cast %parallel_loop3A_222 : i32 to index
        %parallel_loop3A_685 = arith.index_cast %parallel_loop3A_676 : i32 to index
        %parallel_loop3A_686 = arith.index_cast %parallel_loop3A_240 : i32 to index
        %parallel_loop3A_687 = tpu.vector_load %parallel_loop3A_682[%parallel_loop3A_683, %parallel_loop3A_684, %parallel_loop3A_685, %parallel_loop3A_686] {strides = array<i32>} : memref<4x8x8x128xf32, #tpu.memory_space<vmem>>, vector<16xf32>,
        tpu.vector_store %parallel_loop3A_682[%parallel_loop3A_683, %parallel_loop3A_684, %parallel_loop3A_685, %parallel_loop3A_686], %parallel_loop3A_674 {strides = array<i32>} : memref<4x8x8x128xf32, #tpu.memory_space<vmem>>, vector<16xf32>,
        %parallel_loop3A_688 = arith.constant 13312 : i32
        %parallel_loop3A_689 = vector.broadcast %parallel_loop3A_688 : i32 to vector<16xi32>
        %parallel_loop3A_690 = arith.addi %parallel_loop3A_245, %parallel_loop3A_689 : vector<16xi32>
        %parallel_loop3A_691 = tpu.vector_load_idx %arg6[%parallel_loop3A_690] : memref<16384xf32, #tpu.memory_space<vmem>>[vector<16xi32>], vector<16xf32>,
        %parallel_loop3A_692 = arith.constant 3 : i32
        %parallel_loop3A_693 = arith.constant 2 : i32
        %parallel_loop3A_694 = arith.constant 0 : i32
        %parallel_loop3A_695 = arith.constant 0 : i32
        %parallel_loop3A_696 = arith.constant 0 : i32
        %parallel_loop3A_697 = arith.constant 0 : i32
        %parallel_loop3A_698 = tpu.memref_slice %arg7[%select_n3A_127, %parallel_loop3A_694, %parallel_loop3A_695, %parallel_loop3A_696, %parallel_loop3A_697] : memref<2x4x8x8x128xf32, #tpu.memory_space<vmem>> -> memref<1x4x8x8x128xf32, #tpu.memory_space<vmem>>
        %parallel_loop3A_699 = tpu.memref_squeeze %parallel_loop3A_698 : memref<1x4x8x8x128xf32, #tpu.memory_space<vmem>> -> memref<4x8x8x128xf32, #tpu.memory_space<vmem>>
        %parallel_loop3A_700 = arith.index_cast %parallel_loop3A_692 : i32 to index
        %parallel_loop3A_701 = arith.index_cast %parallel_loop3A_222 : i32 to index
        %parallel_loop3A_702 = arith.index_cast %parallel_loop3A_693 : i32 to index
        %parallel_loop3A_703 = arith.index_cast %parallel_loop3A_240 : i32 to index
        %parallel_loop3A_704 = tpu.vector_load %parallel_loop3A_699[%parallel_loop3A_700, %parallel_loop3A_701, %parallel_loop3A_702, %parallel_loop3A_703] {strides = array<i32>} : memref<4x8x8x128xf32, #tpu.memory_space<vmem>>, vector<16xf32>,
        tpu.vector_store %parallel_loop3A_699[%parallel_loop3A_700, %parallel_loop3A_701, %parallel_loop3A_702, %parallel_loop3A_703], %parallel_loop3A_691 {strides = array<i32>} : memref<4x8x8x128xf32, #tpu.memory_space<vmem>>, vector<16xf32>,
        %parallel_loop3A_705 = arith.constant 13824 : i32
        %parallel_loop3A_706 = vector.broadcast %parallel_loop3A_705 : i32 to vector<16xi32>
        %parallel_loop3A_707 = arith.addi %parallel_loop3A_245, %parallel_loop3A_706 : vector<16xi32>
        %parallel_loop3A_708 = tpu.vector_load_idx %arg6[%parallel_loop3A_707] : memref<16384xf32, #tpu.memory_space<vmem>>[vector<16xi32>], vector<16xf32>,
        %parallel_loop3A_709 = arith.constant 3 : i32
        %parallel_loop3A_710 = arith.constant 3 : i32
        %parallel_loop3A_711 = arith.constant 0 : i32
        %parallel_loop3A_712 = arith.constant 0 : i32
        %parallel_loop3A_713 = arith.constant 0 : i32
        %parallel_loop3A_714 = arith.constant 0 : i32
        %parallel_loop3A_715 = tpu.memref_slice %arg7[%select_n3A_127, %parallel_loop3A_711, %parallel_loop3A_712, %parallel_loop3A_713, %parallel_loop3A_714] : memref<2x4x8x8x128xf32, #tpu.memory_space<vmem>> -> memref<1x4x8x8x128xf32, #tpu.memory_space<vmem>>
        %parallel_loop3A_716 = tpu.memref_squeeze %parallel_loop3A_715 : memref<1x4x8x8x128xf32, #tpu.memory_space<vmem>> -> memref<4x8x8x128xf32, #tpu.memory_space<vmem>>
        %parallel_loop3A_717 = arith.index_cast %parallel_loop3A_709 : i32 to index
        %parallel_loop3A_718 = arith.index_cast %parallel_loop3A_222 : i32 to index
        %parallel_loop3A_719 = arith.index_cast %parallel_loop3A_710 : i32 to index
        %parallel_loop3A_720 = arith.index_cast %parallel_loop3A_240 : i32 to index
        %parallel_loop3A_721 = tpu.vector_load %parallel_loop3A_716[%parallel_loop3A_717, %parallel_loop3A_718, %parallel_loop3A_719, %parallel_loop3A_720] {strides = array<i32>} : memref<4x8x8x128xf32, #tpu.memory_space<vmem>>, vector<16xf32>,
        tpu.vector_store %parallel_loop3A_716[%parallel_loop3A_717, %parallel_loop3A_718, %parallel_loop3A_719, %parallel_loop3A_720], %parallel_loop3A_708 {strides = array<i32>} : memref<4x8x8x128xf32, #tpu.memory_space<vmem>>, vector<16xf32>,
        %parallel_loop3A_722 = arith.constant 14336 : i32
        %parallel_loop3A_723 = vector.broadcast %parallel_loop3A_722 : i32 to vector<16xi32>
        %parallel_loop3A_724 = arith.addi %parallel_loop3A_245, %parallel_loop3A_723 : vector<16xi32>
        %parallel_loop3A_725 = tpu.vector_load_idx %arg6[%parallel_loop3A_724] : memref<16384xf32, #tpu.memory_space<vmem>>[vector<16xi32>], vector<16xf32>,
        %parallel_loop3A_726 = arith.constant 3 : i32
        %parallel_loop3A_727 = arith.constant 4 : i32
        %parallel_loop3A_728 = arith.constant 0 : i32
        %parallel_loop3A_729 = arith.constant 0 : i32
        %parallel_loop3A_730 = arith.constant 0 : i32
        %parallel_loop3A_731 = arith.constant 0 : i32
        %parallel_loop3A_732 = tpu.memref_slice %arg7[%select_n3A_127, %parallel_loop3A_728, %parallel_loop3A_729, %parallel_loop3A_730, %parallel_loop3A_731] : memref<2x4x8x8x128xf32, #tpu.memory_space<vmem>> -> memref<1x4x8x8x128xf32, #tpu.memory_space<vmem>>
        %parallel_loop3A_733 = tpu.memref_squeeze %parallel_loop3A_732 : memref<1x4x8x8x128xf32, #tpu.memory_space<vmem>> -> memref<4x8x8x128xf32, #tpu.memory_space<vmem>>
        %parallel_loop3A_734 = arith.index_cast %parallel_loop3A_726 : i32 to index
        %parallel_loop3A_735 = arith.index_cast %parallel_loop3A_222 : i32 to index
        %parallel_loop3A_736 = arith.index_cast %parallel_loop3A_727 : i32 to index
        %parallel_loop3A_737 = arith.index_cast %parallel_loop3A_240 : i32 to index
        %parallel_loop3A_738 = tpu.vector_load %parallel_loop3A_733[%parallel_loop3A_734, %parallel_loop3A_735, %parallel_loop3A_736, %parallel_loop3A_737] {strides = array<i32>} : memref<4x8x8x128xf32, #tpu.memory_space<vmem>>, vector<16xf32>,
        tpu.vector_store %parallel_loop3A_733[%parallel_loop3A_734, %parallel_loop3A_735, %parallel_loop3A_736, %parallel_loop3A_737], %parallel_loop3A_725 {strides = array<i32>} : memref<4x8x8x128xf32, #tpu.memory_space<vmem>>, vector<16xf32>,
        %parallel_loop3A_739 = arith.constant 14848 : i32
        %parallel_loop3A_740 = vector.broadcast %parallel_loop3A_739 : i32 to vector<16xi32>
        %parallel_loop3A_741 = arith.addi %parallel_loop3A_245, %parallel_loop3A_740 : vector<16xi32>
        %parallel_loop3A_742 = tpu.vector_load_idx %arg6[%parallel_loop3A_741] : memref<16384xf32, #tpu.memory_space<vmem>>[vector<16xi32>], vector<16xf32>,
        %parallel_loop3A_743 = arith.constant 3 : i32
        %parallel_loop3A_744 = arith.constant 5 : i32
        %parallel_loop3A_745 = arith.constant 0 : i32
        %parallel_loop3A_746 = arith.constant 0 : i32
        %parallel_loop3A_747 = arith.constant 0 : i32
        %parallel_loop3A_748 = arith.constant 0 : i32
        %parallel_loop3A_749 = tpu.memref_slice %arg7[%select_n3A_127, %parallel_loop3A_745, %parallel_loop3A_746, %parallel_loop3A_747, %parallel_loop3A_748] : memref<2x4x8x8x128xf32, #tpu.memory_space<vmem>> -> memref<1x4x8x8x128xf32, #tpu.memory_space<vmem>>
        %parallel_loop3A_750 = tpu.memref_squeeze %parallel_loop3A_749 : memref<1x4x8x8x128xf32, #tpu.memory_space<vmem>> -> memref<4x8x8x128xf32, #tpu.memory_space<vmem>>
        %parallel_loop3A_751 = arith.index_cast %parallel_loop3A_743 : i32 to index
        %parallel_loop3A_752 = arith.index_cast %parallel_loop3A_222 : i32 to index
        %parallel_loop3A_753 = arith.index_cast %parallel_loop3A_744 : i32 to index
        %parallel_loop3A_754 = arith.index_cast %parallel_loop3A_240 : i32 to index
        %parallel_loop3A_755 = tpu.vector_load %parallel_loop3A_750[%parallel_loop3A_751, %parallel_loop3A_752, %parallel_loop3A_753, %parallel_loop3A_754] {strides = array<i32>} : memref<4x8x8x128xf32, #tpu.memory_space<vmem>>, vector<16xf32>,
        tpu.vector_store %parallel_loop3A_750[%parallel_loop3A_751, %parallel_loop3A_752, %parallel_loop3A_753, %parallel_loop3A_754], %parallel_loop3A_742 {strides = array<i32>} : memref<4x8x8x128xf32, #tpu.memory_space<vmem>>, vector<16xf32>,
        %parallel_loop3A_756 = arith.constant 15360 : i32
        %parallel_loop3A_757 = vector.broadcast %parallel_loop3A_756 : i32 to vector<16xi32>
        %parallel_loop3A_758 = arith.addi %parallel_loop3A_245, %parallel_loop3A_757 : vector<16xi32>
        %parallel_loop3A_759 = tpu.vector_load_idx %arg6[%parallel_loop3A_758] : memref<16384xf32, #tpu.memory_space<vmem>>[vector<16xi32>], vector<16xf32>,
        %parallel_loop3A_760 = arith.constant 3 : i32
        %parallel_loop3A_761 = arith.constant 6 : i32
        %parallel_loop3A_762 = arith.constant 0 : i32
        %parallel_loop3A_763 = arith.constant 0 : i32
        %parallel_loop3A_764 = arith.constant 0 : i32
        %parallel_loop3A_765 = arith.constant 0 : i32
        %parallel_loop3A_766 = tpu.memref_slice %arg7[%select_n3A_127, %parallel_loop3A_762, %parallel_loop3A_763, %parallel_loop3A_764, %parallel_loop3A_765] : memref<2x4x8x8x128xf32, #tpu.memory_space<vmem>> -> memref<1x4x8x8x128xf32, #tpu.memory_space<vmem>>
        %parallel_loop3A_767 = tpu.memref_squeeze %parallel_loop3A_766 : memref<1x4x8x8x128xf32, #tpu.memory_space<vmem>> -> memref<4x8x8x128xf32, #tpu.memory_space<vmem>>
        %parallel_loop3A_768 = arith.index_cast %parallel_loop3A_760 : i32 to index
        %parallel_loop3A_769 = arith.index_cast %parallel_loop3A_222 : i32 to index
        %parallel_loop3A_770 = arith.index_cast %parallel_loop3A_761 : i32 to index
        %parallel_loop3A_771 = arith.index_cast %parallel_loop3A_240 : i32 to index
        %parallel_loop3A_772 = tpu.vector_load %parallel_loop3A_767[%parallel_loop3A_768, %parallel_loop3A_769, %parallel_loop3A_770, %parallel_loop3A_771] {strides = array<i32>} : memref<4x8x8x128xf32, #tpu.memory_space<vmem>>, vector<16xf32>,
        tpu.vector_store %parallel_loop3A_767[%parallel_loop3A_768, %parallel_loop3A_769, %parallel_loop3A_770, %parallel_loop3A_771], %parallel_loop3A_759 {strides = array<i32>} : memref<4x8x8x128xf32, #tpu.memory_space<vmem>>, vector<16xf32>,
        %parallel_loop3A_773 = arith.constant 15872 : i32
        %parallel_loop3A_774 = vector.broadcast %parallel_loop3A_773 : i32 to vector<16xi32>
        %parallel_loop3A_775 = arith.addi %parallel_loop3A_245, %parallel_loop3A_774 : vector<16xi32>
        %parallel_loop3A_776 = tpu.vector_load_idx %arg6[%parallel_loop3A_775] : memref<16384xf32, #tpu.memory_space<vmem>>[vector<16xi32>], vector<16xf32>,
        %parallel_loop3A_777 = arith.constant 3 : i32
        %parallel_loop3A_778 = arith.constant 7 : i32
        %parallel_loop3A_779 = arith.constant 0 : i32
        %parallel_loop3A_780 = arith.constant 0 : i32
        %parallel_loop3A_781 = arith.constant 0 : i32
        %parallel_loop3A_782 = arith.constant 0 : i32
        %parallel_loop3A_783 = tpu.memref_slice %arg7[%select_n3A_127, %parallel_loop3A_779, %parallel_loop3A_780, %parallel_loop3A_781, %parallel_loop3A_782] : memref<2x4x8x8x128xf32, #tpu.memory_space<vmem>> -> memref<1x4x8x8x128xf32, #tpu.memory_space<vmem>>
        %parallel_loop3A_784 = tpu.memref_squeeze %parallel_loop3A_783 : memref<1x4x8x8x128xf32, #tpu.memory_space<vmem>> -> memref<4x8x8x128xf32, #tpu.memory_space<vmem>>
        %parallel_loop3A_785 = arith.index_cast %parallel_loop3A_777 : i32 to index
        %parallel_loop3A_786 = arith.index_cast %parallel_loop3A_222 : i32 to index
        %parallel_loop3A_787 = arith.index_cast %parallel_loop3A_778 : i32 to index
        %parallel_loop3A_788 = arith.index_cast %parallel_loop3A_240 : i32 to index
        %parallel_loop3A_789 = tpu.vector_load %parallel_loop3A_784[%parallel_loop3A_785, %parallel_loop3A_786, %parallel_loop3A_787, %parallel_loop3A_788] {strides = array<i32>} : memref<4x8x8x128xf32, #tpu.memory_space<vmem>>, vector<16xf32>,
        tpu.vector_store %parallel_loop3A_784[%parallel_loop3A_785, %parallel_loop3A_786, %parallel_loop3A_787, %parallel_loop3A_788], %parallel_loop3A_776 {strides = array<i32>} : memref<4x8x8x128xf32, #tpu.memory_space<vmem>>, vector<16xf32>,
      } {sc.loop_unroll_factor = 1 : i64, sc.parallel_access}
      %dma_start3A_172 = arith.constant 0 : i32
      %dma_start3A_173 = arith.constant 0 : i32
      %dma_start3A_174 = arith.constant 0 : i32
      %dma_start3A_175 = arith.constant 0 : i32
      %dma_start3A_176 = tpu.memref_slice %arg7[%select_n3A_127, %dma_start3A_172, %dma_start3A_173, %dma_start3A_174, %dma_start3A_175] : memref<2x4x8x8x128xf32, #tpu.memory_space<vmem>> -> memref<1x4x8x8x128xf32, #tpu.memory_space<vmem>>
      %dma_start3A_177 = tpu.memref_squeeze %dma_start3A_176 : memref<1x4x8x8x128xf32, #tpu.memory_space<vmem>> -> memref<4x8x8x128xf32, #tpu.memory_space<vmem>>
      %dma_start3A_178 = arith.constant 0 : i32
      %dma_start3A_179 = arith.constant 0 : i32
      %dma_start3A_180 = arith.constant 0 : i32
      %dma_start3A_181 = arith.constant 0 : i32
      %dma_start3A_182 = tpu.memref_slice %arg4[%add3A_113, %dma_start3A_178, %dma_start3A_179, %dma_start3A_180, %dma_start3A_181] : memref<1024x4x8x8x128xf32, #tpu.memory_space<hbm>> -> memref<1x4x8x8x128xf32, #tpu.memory_space<hbm>>
      %dma_start3A_183 = tpu.memref_squeeze %dma_start3A_182 : memref<1x4x8x8x128xf32, #tpu.memory_space<hbm>> -> memref<4x8x8x128xf32, #tpu.memory_space<hbm>>
      %dma_start3A_184 = tpu.memref_slice %arg8[%select_n3A_127] : memref<2x!tpu.dma_semaphore, #tpu.memory_space<semaphore_mem>> -> memref<1x!tpu.dma_semaphore, #tpu.memory_space<semaphore_mem>>
      %dma_start3A_185 = tpu.memref_squeeze %dma_start3A_184 : memref<1x!tpu.dma_semaphore, #tpu.memory_space<semaphore_mem>> -> memref<!tpu.dma_semaphore, #tpu.memory_space<semaphore_mem>>
      %dma_start3A_186 = arith.constant 0 : i32
      %dma_start3A_187 = arith.constant 0 : i32
      %dma_start3A_188 = arith.constant 0 : i32
      %dma_start3A_189 = arith.constant 0 : i32
      %dma_start3A_190 = tpu.memref_slice %arg4[%add3A_113, %dma_start3A_186, %dma_start3A_187, %dma_start3A_188, %dma_start3A_189] : memref<1024x4x8x8x128xf32, #tpu.memory_space<hbm>> -> memref<1x4x8x8x128xf32, #tpu.memory_space<hbm>>
      %dma_start3A_191 = tpu.memref_squeeze %dma_start3A_190 : memref<1x4x8x8x128xf32, #tpu.memory_space<hbm>> -> memref<4x8x8x128xf32, #tpu.memory_space<hbm>>
      %dma_start3A_192 = arith.constant 0 : i32
      %dma_start3A_193 = arith.constant 0 : i32
      %dma_start3A_194 = arith.constant 0 : i32
      %dma_start3A_195 = arith.constant 0 : i32
      %dma_start3A_196 = tpu.memref_slice %arg7[%select_n3A_127, %dma_start3A_192, %dma_start3A_193, %dma_start3A_194, %dma_start3A_195] : memref<2x4x8x8x128xf32, #tpu.memory_space<vmem>> -> memref<1x4x8x8x128xf32, #tpu.memory_space<vmem>>
      %dma_start3A_197 = tpu.memref_squeeze %dma_start3A_196 : memref<1x4x8x8x128xf32, #tpu.memory_space<vmem>> -> memref<4x8x8x128xf32, #tpu.memory_space<vmem>>
      tpu.enqueue_dma source(%dma_start3A_197 : memref<4x8x8x128xf32, #tpu.memory_space<vmem>>) target(%dma_start3A_191 : memref<4x8x8x128xf32, #tpu.memory_space<hbm>>) target_semaphore(%dma_start3A_185 : memref<!tpu.dma_semaphore, #tpu.memory_space<semaphore_mem>>)
    }
    %scan3A_49 = arith.constant 32 : i32
    %add3A_50 = arith.constant 32 : i32
    %add3A_51 = arith.addi %mul3A_2, %add3A_50 : i32
    %sub3A_52 = arith.constant 2 : i32
    %sub3A_53 = arith.subi %add3A_51, %sub3A_52 : i32
    %dma_wait3A_54 = arith.constant 0 : i32
    %dma_wait3A_55 = arith.constant 0 : i32
    %dma_wait3A_56 = arith.constant 0 : i32
    %dma_wait3A_57 = arith.constant 0 : i32
    %dma_wait3A_58 = arith.constant 0 : i32
    %dma_wait3A_59 = arith.constant 0 : i32
    %dma_wait3A_60 = tpu.memref_slice %arg7[%dma_wait3A_54, %dma_wait3A_56, %dma_wait3A_57, %dma_wait3A_58, %dma_wait3A_59] : memref<2x4x8x8x128xf32, #tpu.memory_space<vmem>> -> memref<1x4x8x8x128xf32, #tpu.memory_space<vmem>>
    %dma_wait3A_61 = tpu.memref_squeeze %dma_wait3A_60 : memref<1x4x8x8x128xf32, #tpu.memory_space<vmem>> -> memref<4x8x8x128xf32, #tpu.memory_space<vmem>>
    %dma_wait3A_62 = arith.constant 0 : i32
    %dma_wait3A_63 = arith.constant 0 : i32
    %dma_wait3A_64 = arith.constant 0 : i32
    %dma_wait3A_65 = arith.constant 0 : i32
    %dma_wait3A_66 = tpu.memref_slice %arg4[%sub3A_53, %dma_wait3A_62, %dma_wait3A_63, %dma_wait3A_64, %dma_wait3A_65] : memref<1024x4x8x8x128xf32, #tpu.memory_space<hbm>> -> memref<1x4x8x8x128xf32, #tpu.memory_space<hbm>>
    %dma_wait3A_67 = tpu.memref_squeeze %dma_wait3A_66 : memref<1x4x8x8x128xf32, #tpu.memory_space<hbm>> -> memref<4x8x8x128xf32, #tpu.memory_space<hbm>>
    %dma_wait3A_68 = tpu.memref_slice %arg8[%dma_wait3A_55] : memref<2x!tpu.dma_semaphore, #tpu.memory_space<semaphore_mem>> -> memref<1x!tpu.dma_semaphore, #tpu.memory_space<semaphore_mem>>
    %dma_wait3A_69 = tpu.memref_squeeze %dma_wait3A_68 : memref<1x!tpu.dma_semaphore, #tpu.memory_space<semaphore_mem>> -> memref<!tpu.dma_semaphore, #tpu.memory_space<semaphore_mem>>
    %dma_wait3A_70 = arith.constant 0 : i32
    %dma_wait3A_71 = arith.constant 0 : i32
    %dma_wait3A_72 = arith.constant 0 : i32
    %dma_wait3A_73 = arith.constant 0 : i32
    %dma_wait3A_74 = tpu.memref_slice %arg4[%sub3A_53, %dma_wait3A_70, %dma_wait3A_71, %dma_wait3A_72, %dma_wait3A_73] : memref<1024x4x8x8x128xf32, #tpu.memory_space<hbm>> -> memref<1x4x8x8x128xf32, #tpu.memory_space<hbm>>
    %dma_wait3A_75 = tpu.memref_squeeze %dma_wait3A_74 : memref<1x4x8x8x128xf32, #tpu.memory_space<hbm>> -> memref<4x8x8x128xf32, #tpu.memory_space<hbm>>
    %dma_wait3A_76 = arith.constant 0 : i32
    %dma_wait3A_77 = arith.constant 0 : i32
    %dma_wait3A_78 = arith.constant 0 : i32
    %dma_wait3A_79 = arith.constant 0 : i32
    %dma_wait3A_80 = tpu.memref_slice %arg7[%dma_wait3A_54, %dma_wait3A_76, %dma_wait3A_77, %dma_wait3A_78, %dma_wait3A_79] : memref<2x4x8x8x128xf32, #tpu.memory_space<vmem>> -> memref<1x4x8x8x128xf32, #tpu.memory_space<vmem>>
    %dma_wait3A_81 = tpu.memref_squeeze %dma_wait3A_80 : memref<1x4x8x8x128xf32, #tpu.memory_space<vmem>> -> memref<4x8x8x128xf32, #tpu.memory_space<vmem>>
    tpu.wait_dma2 semaphore(%dma_wait3A_69 : memref<!tpu.dma_semaphore, #tpu.memory_space<semaphore_mem>>) src(%dma_wait3A_81 : memref<4x8x8x128xf32, #tpu.memory_space<vmem>>) dst(%dma_wait3A_75 : memref<4x8x8x128xf32, #tpu.memory_space<hbm>>)
    %sub3A_82 = arith.constant 1 : i32
    %sub3A_83 = arith.subi %add3A_51, %sub3A_82 : i32
    %dma_wait3A_84 = arith.constant 1 : i32
    %dma_wait3A_85 = arith.constant 1 : i32
    %dma_wait3A_86 = arith.constant 0 : i32
    %dma_wait3A_87 = arith.constant 0 : i32
    %dma_wait3A_88 = arith.constant 0 : i32
    %dma_wait3A_89 = arith.constant 0 : i32
    %dma_wait3A_90 = tpu.memref_slice %arg7[%dma_wait3A_84, %dma_wait3A_86, %dma_wait3A_87, %dma_wait3A_88, %dma_wait3A_89] : memref<2x4x8x8x128xf32, #tpu.memory_space<vmem>> -> memref<1x4x8x8x128xf32, #tpu.memory_space<vmem>>
    %dma_wait3A_91 = tpu.memref_squeeze %dma_wait3A_90 : memref<1x4x8x8x128xf32, #tpu.memory_space<vmem>> -> memref<4x8x8x128xf32, #tpu.memory_space<vmem>>
    %dma_wait3A_92 = arith.constant 0 : i32
    %dma_wait3A_93 = arith.constant 0 : i32
    %dma_wait3A_94 = arith.constant 0 : i32
    %dma_wait3A_95 = arith.constant 0 : i32
    %dma_wait3A_96 = tpu.memref_slice %arg4[%sub3A_83, %dma_wait3A_92, %dma_wait3A_93, %dma_wait3A_94, %dma_wait3A_95] : memref<1024x4x8x8x128xf32, #tpu.memory_space<hbm>> -> memref<1x4x8x8x128xf32, #tpu.memory_space<hbm>>
    %dma_wait3A_97 = tpu.memref_squeeze %dma_wait3A_96 : memref<1x4x8x8x128xf32, #tpu.memory_space<hbm>> -> memref<4x8x8x128xf32, #tpu.memory_space<hbm>>
    %dma_wait3A_98 = tpu.memref_slice %arg8[%dma_wait3A_85] : memref<2x!tpu.dma_semaphore, #tpu.memory_space<semaphore_mem>> -> memref<1x!tpu.dma_semaphore, #tpu.memory_space<semaphore_mem>>
    %dma_wait3A_99 = tpu.memref_squeeze %dma_wait3A_98 : memref<1x!tpu.dma_semaphore, #tpu.memory_space<semaphore_mem>> -> memref<!tpu.dma_semaphore, #tpu.memory_space<semaphore_mem>>
    %dma_wait3A_100 = arith.constant 0 : i32
    %dma_wait3A_101 = arith.constant 0 : i32
    %dma_wait3A_102 = arith.constant 0 : i32
    %dma_wait3A_103 = arith.constant 0 : i32
    %dma_wait3A_104 = tpu.memref_slice %arg4[%sub3A_83, %dma_wait3A_100, %dma_wait3A_101, %dma_wait3A_102, %dma_wait3A_103] : memref<1024x4x8x8x128xf32, #tpu.memory_space<hbm>> -> memref<1x4x8x8x128xf32, #tpu.memory_space<hbm>>
    %dma_wait3A_105 = tpu.memref_squeeze %dma_wait3A_104 : memref<1x4x8x8x128xf32, #tpu.memory_space<hbm>> -> memref<4x8x8x128xf32, #tpu.memory_space<hbm>>
    %dma_wait3A_106 = arith.constant 0 : i32
    %dma_wait3A_107 = arith.constant 0 : i32
    %dma_wait3A_108 = arith.constant 0 : i32
    %dma_wait3A_109 = arith.constant 0 : i32
    %dma_wait3A_110 = tpu.memref_slice %arg7[%dma_wait3A_84, %dma_wait3A_106, %dma_wait3A_107, %dma_wait3A_108, %dma_wait3A_109] : memref<2x4x8x8x128xf32, #tpu.memory_space<vmem>> -> memref<1x4x8x8x128xf32, #tpu.memory_space<vmem>>
    %dma_wait3A_111 = tpu.memref_squeeze %dma_wait3A_110 : memref<1x4x8x8x128xf32, #tpu.memory_space<vmem>> -> memref<4x8x8x128xf32, #tpu.memory_space<vmem>>
    tpu.wait_dma2 semaphore(%dma_wait3A_99 : memref<!tpu.dma_semaphore, #tpu.memory_space<semaphore_mem>>) src(%dma_wait3A_111 : memref<4x8x8x128xf32, #tpu.memory_space<vmem>>) dst(%dma_wait3A_105 : memref<4x8x8x128xf32, #tpu.memory_space<hbm>>)
    return
  }
}

</mosaic_0001>

<sc_bundles>
// kernel: kernel.3.cloned.1.call-start
scs
__scs_entry_jumppad:
0x0: {  	(pc) =	sbr.rel $0x88, $3  }
0x1: {  	(tag) =	ssettag $0x0;
	lr =	simm.s32 $0x1  }
0x2: {  	[smem:$0x3F9F] =	sst lr;
	_ =	strace $0xD0000000  }
0x3: {  	_ = 	snop  }
0x4: {  	_ = 	snop  }
0x5: {  	_ = 	snop  }
0x6: {  	_ = 	snop  }
0x7: {  	_ = 	snop  }
__scs_overlays_trampoline_lowered:
0x8: {  	[smem:$0x3FAE] =	sst s0  }
0x9: {  	[smem:$0x3FAF] =	sst s1  }
0xa: {  	[smem:$0x3FB0] =	sst s2  }
0xb: {  	[smem:$0x3FB1] =	sst s3  }
0xc: {  	[smem:$0x3FB2] =	sst s4  }
0xd: {  	[smem:$0x3FB3] =	sst s5  }
0xe: {  	[smem:$0x3FB4] =	sst s6  }
0xf: {  	[smem:$0x3FB5] =	sst s7  }
0x10: {  	[smem:$0x3FB6] =	sst s8  }
0x11: {  	[smem:$0x3FB7] =	sst s9;
	s0 =	simm.s32 @!p0 $0x0  }
0x12: {  	s1 =	sld [smem:$0x3F9D];
	s0 =	simm.s32 @p0 $0x1  }
0x13: {  	[smem:$0x3FB8] =	sst s0;
	s0 =	simm.s32 @!p1 $0x0  }
0x14: {  	s2 =	sld [smem:$0x3F9C];
	s0 =	simm.s32 @p1 $0x1  }
0x15: {  	[smem:$0x3FB9] =	sst s0;
	s0 =	simm.s32 @!p2 $0x0  }
0x16: {  	s3 =	sld [smem:$0x3FDB];
	s0 =	simm.s32 @p2 $0x1  }
0x17: {  	s4 =	simm.s32 $0x1BF5;
	[smem:$0x3FBB] =	sst s0  }
0x18: {  	s0 =	sld [smem:$0x3F9E];
	_ =	swait.ge [sflag:s4], $0x0  }
0x19: {  	s7 =	sld [smem:$0x3F9F]  }
0x1a: {  	s8 =	sadd.s32 $0xFFFFE003, lr  }
0x1b: {  	s9 =	sadd.s32 $0xFFFFFEF7, lr;
	s5 =	simm.s32 $0xFFFFFFFF;
	p2 =	slt.u32 s8, $0xFFFFF086  }
0x1c: {  	p1 =	slt.u32 s9, $0xF7A;
	s5 =	simm.s32 @!p2 $0x0  }
0x1d: {  	s5 =	simm.s32 @p1 $0x1;
	p0 =	seq.s32 s7, s2  }
0x1e: {  	s7 =	smul.u32 @!p0 $0xF7A, s2;
	p2 =	seq.s32 @!p0 s5, $0x0  }
0x1f: {  	s9 =	smul.u32 $0xF7A, s1;
	s8 =	simm.s32 @!p0 $0x1BF5;
	p2 =	por !p2, p0  }
0x20: {  	[sflag:s8] =	ssyncset.s32 @!p0 $0xFFFFF086;
	s6 =	sadd.s32 @!p0 s3, s7;
	s7 =	simm.s32 @!p0 $0x108  }
0x21: {  	s3 =	sadd.s32 s3, s9;
	s6 =	sadd.s32 @!p0 $0x88, s6;
	s7 =	simm.s32 @p2 $0x1082  }
0x22: {  	[simem:s7], [sflag:s8] =	dma.local @!p0 [hbm:s6], $0xF7A  }
0x23: {  	s9 =	sor.u32 $0xD0000000, s2;
	s6 =	simm.s32 $0x108;
	_ =	swait.ge @!p0 [sflag:s8], $0x0  }
0x24: {  	s3 =	sadd.s32 $0x88, s3;
	s6 =	simm.s32 @!p1 $0x1082;
	[sflag:s4] =	ssyncset.s32 $0xFFFFF086  }
0x25: {  	[simem:s6], [sflag:s4] =	dma.local [hbm:s3], $0xF7A  }
0x26: {  	[smem:$0x3F9F] =	sst s1;
	(tag) =	ssettag s2;
	_ =	strace s9  }
0x27: {  	s1 =	sld [smem:$0x3FAF]  }
0x28: {  	s2 =	sld [smem:$0x3FB0]  }
0x29: {  	s4 =	sld [smem:$0x3FB2]  }
0x2a: {  	p0 =	seq.s32 s5, $0x0;
	s5 =	sld [smem:$0x3FB3]  }
0x2b: {  	s6 =	sld [smem:$0x3FB4]  }
0x2c: {  	s7 =	sld [smem:$0x3FB5]  }
0x2d: {  	s3 =	simm.s32 $0x108;
	s8 =	sld [smem:$0x3FB6]  }
0x2e: {  	s3 =	simm.s32 @!p0 $0x1082;
	s9 =	sld [smem:$0x3FB7]  }
0x2f: {  	lr =	sadd.s32 s0, s3;
	s0 =	sld [smem:$0x3FAE]  }
0x30: {  	s3 =	sld [smem:$0x3FB1]  }
0x31: {  	[smem:$0x3FBA] =	sst s10  }
0x32: {  	s10 =	sld [smem:$0x3FB8];
	_ =	sdelay $0x3  }
0x33: {  	p0 =	seq.s32 s10, $0x1;
	s10 =	sld [smem:$0x3FBA];
	_ =	sdelay $0x3  }
0x34: {  	[smem:$0x3FBA] =	sst s10  }
0x35: {  	s10 =	sld [smem:$0x3FB9];
	_ =	sdelay $0x3  }
0x36: {  	p1 =	seq.s32 s10, $0x1;
	s10 =	sld [smem:$0x3FBA];
	_ =	sdelay $0x3  }
0x37: {  	[smem:$0x3FBA] =	sst s10  }
0x38: {  	s10 =	sld [smem:$0x3FBB]  }
0x39: {  	_ = 	snop;
	(pc) =	sbr.ind lr, $3  }
0x3a: {  	_ = 	snop  }
0x3b: {  	_ = 	snop  }
0x3c: {  	p2 =	seq.s32 s10, $0x1;
	s10 =	sld [smem:$0x3FBA]  }
0x3d: {  	_ =	shalt  }
0x3e: {  	_ =	shalt  }
0x3f: {  	_ =	shalt  }
0x40: {  	_ =	shalt  }
0x41: {  	_ =	shalt  }
0x42: {  	_ =	shalt  }
0x43: {  	_ =	shalt  }
0x44: {  	_ =	shalt  }
0x45: {  	_ =	shalt  }
0x46: {  	_ =	shalt  }
0x47: {  	_ =	shalt  }
0x48: {  	_ =	shalt  }
0x49: {  	_ =	shalt  }
0x4a: {  	_ =	shalt  }
0x4b: {  	_ =	shalt  }
0x4c: {  	_ =	shalt  }
0x4d: {  	_ =	shalt  }
0x4e: {  	_ =	shalt  }
0x4f: {  	_ =	shalt  }
0x50: {  	_ =	shalt  }
0x51: {  	_ =	shalt  }
0x52: {  	_ =	shalt  }
0x53: {  	_ =	shalt  }
0x54: {  	_ =	shalt  }
0x55: {  	_ =	shalt  }
0x56: {  	_ =	shalt  }
0x57: {  	_ =	shalt  }
0x58: {  	_ =	shalt  }
0x59: {  	_ =	shalt  }
0x5a: {  	_ =	shalt  }
0x5b: {  	_ =	shalt  }
0x5c: {  	_ =	shalt  }
0x5d: {  	_ =	shalt  }
0x5e: {  	_ =	shalt  }
0x5f: {  	_ =	shalt  }
0x60: {  	_ =	shalt  }
0x61: {  	_ =	shalt  }
0x62: {  	_ =	shalt  }
0x63: {  	_ =	shalt  }
0x64: {  	_ =	shalt  }
0x65: {  	_ =	shalt  }
0x66: {  	_ =	shalt  }
0x67: {  	_ =	shalt  }
0x68: {  	_ =	shalt  }
0x69: {  	_ =	shalt  }
0x6a: {  	_ =	shalt  }
0x6b: {  	_ =	shalt  }
0x6c: {  	_ =	shalt  }
0x6d: {  	_ =	shalt  }
0x6e: {  	_ =	shalt  }
0x6f: {  	_ =	shalt  }
0x70: {  	_ =	shalt  }
0x71: {  	_ =	shalt  }
0x72: {  	_ =	shalt  }
0x73: {  	_ =	shalt  }
0x74: {  	_ =	shalt  }
0x75: {  	_ =	shalt  }
0x76: {  	_ =	shalt  }
0x77: {  	_ =	shalt  }
0x78: {  	_ =	shalt  }
0x79: {  	_ =	shalt  }
0x7a: {  	_ =	shalt  }
0x7b: {  	_ =	shalt  }
0x7c: {  	_ =	shalt  }
0x7d: {  	_ =	shalt  }
0x7e: {  	_ =	shalt  }
0x7f: {  	_ =	shalt  }
0x80: {  	_ =	shalt  }
0x81: {  	_ =	shalt  }
0x82: {  	_ =	shalt  }
0x83: {  	_ =	shalt  }
0x84: {  	_ =	shalt  }
0x85: {  	_ =	shalt  }
0x86: {  	_ =	shalt  }
0x87: {  	_ =	shalt  }
.Lfunc_end0:
.L_simem_size_0:
called_computation_lowered:
.L_overlay_start_0:
0x88: {  	s2 =	sld [smem:$0x3FD9]  }
0x89: {  	s3 =	sld [smem:$0x3FFE];
	_ =	sdelay $0x1  }
0x8a: {  	s1 =	srdreg.scid  }
0x8b: {  	s0 =	sand.u32 $0x1, s1  }
0x8c: {  	s17 =	sshll.u32 s0, $0xA;
	s2 =	sadd.s32 s3, s2  }
0x8d: {  	s2 =	sadd.s32 s2, s17  }
0x8e: {  	[smem:$0x3FC6] =	sst s2  }
0x8f: {  	_ = 	snop  }
0x90: {  	s2 =	sld [smem:$0x3FC9]  }
0x91: {  	s18 =	sld [smem:$0x3FD0];
	(tm) =	ssettm $0x1  }
0x92: {  	s4 =	sld [smem:$0x3FFB];
	_ =	sdelay $0x3  }
0x93: {  	_ =	strace s4  }
0x94: {  	s4 =	sld [smem:$0x3FFC];
	_ =	sdelay $0x3  }
0x95: {  	_ =	strace s4  }
0x96: {  	s4 =	sld [smem:$0x3FFD];
	_ =	sdelay $0x3  }
0x97: {  	_ =	strace s4  }
0x98: {  	_ =	strace $0x8FFFFFFF  }
0x99: {  	s19 =	sld [smem:$0x3FDB];
	_ =	sdelay $0x1  }
0x9a: {  	s5 =	simm.s32 $_scs_section_size  }
0x9b: {  	s6 =	simm.s32 $_size__tile_overlayer_lowered;
	s7 =	simm.s32 $_tile_overlayer_lowered  }
0x9c: {  	s22 =	simm.s32 $0x1BFF;
	s21 =	sshll.u32 s7, $0x1;
	s4 =	sadd.s32 s5, s19  }
0x9d: {  	s8 =	simm.s32 $0x0;
	s20 =	sshll.u32 s6, $0x1;
	s6 =	sadd.s32 s21, s4  }
0x9e: {  	[timem:s8], [sflag:s22] =	dma.local [hbm:s6], s20  }
0x9f: {  	_ =	swait.ge [sflag:s22], s20  }
0xa0: {  	s5 =	ssub.s32 $0x0, s20;
	[sflag:s22] =	ssyncset.done $0x0  }
0xa1: {  	[sflag:s22] =	ssyncadd.s32 s5;
	_ =	sdelay $0x1  }
0xa2: {  	s23 =	simm.s32 $0x1B8B  }
0xa3: {  	_ =	swait.ge [sflag:s23], $0x1  }
0xa4: {  	[sflag:s23] =	ssyncset.done $0x0  }
0xa5: {  	s25 =	simm.s32 $0x1B8E;
	s24 =	sld [smem:$0x3FFE];
	[sflag:s23] =	ssyncadd.s32 $0xFFFFFFFF  }
0xa6: {  	s26 =	simm.s32 $execute0_lowered;
	[smem:$0x3FD2] =	sst s25  }
0xa7: {  	s6 =	sshll.u32 s26, $0x1;
	_ =	strace $0x80000046;
	[dreg:$0x1] =	wrdreg $0xFFFFFFFF  }
0xa8: {  	s28 =	simm.s32 $_size_execute0_lowered;
	s4 =	sadd.s32 s4, s6;
	[dreg:$0x0] =	wrdreg $0x0  }
0xa9: {  	s6 =	sshll.u32 s28, $0x1;
	[dreg:$0x2] =	wrdreg s4  }
0xaa: {  	[dreg:$0x3] =	wrdreg s6  }
0xab: {  	[dreg:$0x4] =	wrdreg $0xC0  }
0xac: {  	_ =	task [dreg:s8], $0x5FFFF  }
0xad: {  	[dreg:$0x1] =	wrdreg $0xFFFFFFFF  }
0xae: {  	[dreg:$0x0] =	wrdreg $0x60  }
0xaf: {  	[dreg:$0x2] =	wrdreg s2  }
0xb0: {  	[dreg:$0x3] =	wrdreg s24  }
0xb1: {  	[dreg:$0x4] =	wrdreg s18  }
0xb2: {  	[dreg:$0x5] =	wrdreg $0x9  }
0xb3: {  	_ =	task.clear_ibuf [dreg:s8], $0x6FFFF;
	_ =	strace $0x90000046  }
0xb4: {  	s29 =	simm.s32 $0x9;
	_ =	strace $0x80000048  }
0xb5: {  	_ =	swait.ge [sflag:s29], $0x1  }
0xb6: {  	[sflag:s29] =	ssyncadd.s32 $0xFFFFFFFF  }
0xb7: {  	_ =	strace $0x90000048  }
0xb8: {  	_ =	sfence  }
0xb9: {  	s30 =	sld [smem:$0x0];
	_ =	sdelay $0x2  }
0xba: {  	s31 =	sshll.u32 s1, $0xD;
	s1 =	sshrl.u32 s1, $0x2  }
0xbb: {  	s3 =	sand.u32 $0x4000, s31;
	s1 =	sadd.s32 s1, s30  }
0xbc: {  	s0 =	sor.u32 s3, s0;
	s1 =	sshll.u32 s1, $0x11  }
0xbd: {  	s0 =	sor.u32 s1, s0  }
0xbe: {  	s0 =	sadd.s32 $0x8F2B, s0  }
0xbf: {  	[sflag:s0] =	ssyncadd.remote.s32 $0x1  }
0xc0: {  	_ =	sfence.sel $0xFFFF  }
0xc1: {  	[dreg:$0x0] =	wrdreg $0xFFFFFFFF;
	(pc) =	sbr.abs _section_cstart, $3  }
0xc2: {  	[dreg:$0x1] =	wrdreg $0xFFFFFFFF  }
0xc3: {  	_ =	task.clear_ibuf [dreg:s8], $0x2FFFF;
	_ =	strace $0x9FFFFFFF  }
0xc4: {  	(tm) =	ssettm $0x7FFFFFFF  }
0xc5: {  	_ =	shalt  }
tec
execute0_lowered:
.L_overlay_start_1:
0x0: {  	(tag) =	ssettag $0x1  }
0x1: {  	s6 =	rddreg [dreg:$0x0]  }
0x2: {  	s5 =	rddreg [dreg:$0x1]  }
0x3: {  	s1 =	rddreg [dreg:$0x2]  }
0x4: {  	s0 =	rddreg [dreg:$0x3];
	s3 =	simm.s32 $0x0;
	s4 =	srdreg.scid  }
0x5: {  	s2 =	stileid.u32;
	s10 =	simm.s32 $0x2;
	s11 =	simm.s32 $0x0  }
0x6: {  	[smem:$0x7FF] =	sst s3;
	s4 =	sand.u32 $0x1, s4;
	s8 =	sshll.u32 s2, $0x6  }
0x7: {  	s5 =	sadd.s32 $0x400, s5;
	s7 =	ssub.s32 $0x2, s4;
	s4 =	sshll.u32 s4, $0x5  }
0x8: {  	_ =	strace $0x80000047;
	s9 =	sshrl.u32 s7, $0x1;
	s4 =	sor.u32 s4, s8  }
0x9: {  	s7 =	ssub.s32 s7, s9;
	s8 =	sshll.u32 s4, $0x7;
	s9 =	simm.s32 $0x1  }
0xa: {  	s6 =	sadd.s32 s6, s8;
	s7 =	smax.u32 s7, $0x1;
	s8 =	simm.s32 $0x8000  }
.LBB2_1:
0xb: {  	[tilespmem:s8], [sflag:$0x1] =	stream.linear.gather [hbm4b:s5+s3], $0x4000, $0x38;
	[tilespmem:$0x1C000] =	vst v63  }
0xc: {  	_ = 	snop  }
0xd: {  	[tilespmem:s3], [sflag:$0x2] =	stream.linear.gather [hbm4b:s6+s3], $0x8000, $0x38;
	[tilespmem:$0x1C000] =	vst v63  }
0xe: {  	_ =	swait.ge [sflag:s9], $0x4000  }
0xf: {  	[sflag:s9] =	ssyncset.done $0x0  }
0x10: {  	[sflag:s9] =	ssyncadd.s32 $0xFFFFC000  }
0x11: {  	_ =	swait.ge [sflag:s10], $0x8000  }
0x12: {  	[sflag:s10] =	ssyncset.done $0x0  }
0x13: {  	s12 =	simm.s32 $0x0;
	[sflag:s10] =	ssyncadd.s32 $0xFFFF8000  }
.LBB2_2:
0x14: {  	s13 =	sand.u32 $0x1, s12;
	p0 =	slt.u32 s12, $0x2  }
0x15: {  	s15 =	sshll.u32 s12, $0x7;
	s16 =	sshll.u32 s12, $0xA;
	s17 =	simm.s32 $0x0  }
0x16: {  	s14 =	sadd.s32 @!p0 $0x1, s13;
	s15 =	sand.u32 $0x380, s15;
	s16 =	sand.u32 $0x6000, s16  }
0x17: {  	s22 =	sand.u32 $0x1C00, s17;
	_ =	swait.ge @!p0 [sflag:s14], $0x8000;
	s21 =	sor.u32 s15, s16  }
0x18: {  	s23 =	sand.u32 $0x70, s17;
	[sflag:s14] =	ssyncset.done @!p0 $0x0;
	s24 =	sadd.s32 s22, s21  }
0x19: {  	[sflag:s14] =	ssyncadd.s32 @!p0 $0xFFFF8000;
	s25 =	sadd.s32 s23, s24  }
0x1a: {  	v7 =	vld [tilespmem:s25+$0x0];
	_ =	sdelay $0x7  }
0x1b: {  	v0 =	vld.idx.msk [tilespmem:v7+s8+$0x0], $0xffff  }
0x1c: {  	s26 =	sshll.u32 s13, $0xF;
	v1 =	vadd.s32 $0x200, v7  }
0x1d: {  	s14 =	sadd.s32 $0xC000, s26  }
0x1e: {  	s15 =	sadd.s32 s22, s14  }
0x1f: {  	s19 =	sadd.s32 s23, s15  }
0x20: {  	[tilespmem:s19+$0x0] =	vst v0  }
0x21: {  	v0 =	vld.idx.msk [tilespmem:v1+s8+$0x0], $0xffff  }
0x22: {  	v1 =	vadd.s32 $0x400, v7;
	_ =	sdelay $0x3  }
0x23: {  	[tilespmem:s19+$0x80] =	vst v0  }
0x24: {  	v0 =	vld.idx.msk [tilespmem:v1+s8+$0x0], $0xffff  }
0x25: {  	v1 =	vadd.s32 $0x600, v7;
	_ =	sdelay $0x2  }
0x26: {  	s29 =	simm.s32 $0x80  }
0x27: {  	s30 =	simm.s32 $0x10;
	s15 =	sand.u32 $0x1C00, s29;
	[tilespmem:s19+$0x100] =	vst v0  }
0x28: {  	s16 =	sand.u32 $0x70, s30;
	s31 =	sadd.s32 s15, s21;
	v0 =	vld.idx.msk [tilespmem:v1+s8+$0x0], $0xffff  }
0x29: {  	s17 =	sadd.s32 s16, s31;
	v1 =	vadd.s32 $0x800, v7  }
0x2a: {  	v2 =	vld [tilespmem:s17+$0x0];
	_ =	sdelay $0x2  }
0x2b: {  	[tilespmem:s19+$0x180] =	vst v0  }
0x2c: {  	v0 =	vld.idx.msk [tilespmem:v1+s8+$0x0], $0xffff  }
0x2d: {  	v1 =	vadd.s32 $0xA00, v7;
	_ =	sdelay $0x2  }
0x2e: {  	v3 =	vld.idx.msk [tilespmem:v2+s8+$0x0], $0xffff  }
0x2f: {  	[tilespmem:s19+$0x200] =	vst v0;
	v0 =	vadd.s32 $0x200, v2  }
0x30: {  	v1 =	vld.idx.msk [tilespmem:v1+s8+$0x0], $0xffff  }
0x31: {  	s15 =	sadd.s32 s15, s14;
	v4 =	vadd.s32 $0xC00, v7  }
0x32: {  	s16 =	sadd.s32 s16, s15  }
0x33: {  	[tilespmem:s16+$0x0] =	vst v3  }
0x34: {  	v0 =	vld.idx.msk [tilespmem:v0+s8+$0x0], $0xffff  }
0x35: {  	[tilespmem:s19+$0x280] =	vst v1;
	v1 =	vadd.s32 $0x400, v2  }
0x36: {  	v3 =	vld.idx.msk [tilespmem:v4+s8+$0x0], $0xffff  }
0x37: {  	v4 =	vadd.s32 $0xE00, v7;
	_ =	sdelay $0x1  }
0x38: {  	[tilespmem:s16+$0x80] =	vst v0  }
0x39: {  	v0 =	vld.idx.msk [tilespmem:v1+s8+$0x0], $0xffff  }
0x3a: {  	v1 =	vadd.s32 $0x600, v2;
	[tilespmem:s19+$0x300] =	vst v3  }
0x3b: {  	v3 =	vld.idx.msk [tilespmem:v4+s8+$0x0], $0xffff  }
0x3c: {  	s17 =	simm.s32 $0x100;
	v4 =	vadd.s32 $0x1000, v7  }
0x3d: {  	s18 =	simm.s32 $0x20;
	s15 =	sand.u32 $0x1C00, s17  }
0x3e: {  	s17 =	sand.u32 $0x70, s18;
	s18 =	sadd.s32 s15, s21;
	[tilespmem:s16+$0x100] =	vst v0  }
0x3f: {  	s18 =	sadd.s32 s17, s18;
	v1 =	vld.idx.msk [tilespmem:v1+s8+$0x0], $0xffff  }
0x40: {  	v0 =	vld [tilespmem:s18+$0x0];
	[tilespmem:s19+$0x380] =	vst v3;
	v3 =	vadd.s32 $0x800, v2  }
0x41: {  	v4 =	vld.idx.msk [tilespmem:v4+s8+$0x0], $0xffff  }
0x42: {  	v5 =	vadd.s32 $0x1200, v7;
	_ =	sdelay $0x1  }
0x43: {  	[tilespmem:s16+$0x180] =	vst v1  }
0x44: {  	v1 =	vld.idx.msk [tilespmem:v3+s8+$0x0], $0xffff  }
0x45: {  	v3 =	vadd.s32 $0xA00, v2;
	[tilespmem:s19+$0x2000] =	vst v4  }
0x46: {  	v4 =	vld.idx.msk [tilespmem:v5+s8+$0x0], $0xffff  }
0x47: {  	v5 =	vadd.s32 $0x1400, v7  }
0x48: {  	v6 =	vld.idx.msk [tilespmem:v0+s8+$0x0], $0xffff  }
0x49: {  	[tilespmem:s16+$0x200] =	vst v1;
	v1 =	vadd.s32 $0x200, v0  }
0x4a: {  	v3 =	vld.idx.msk [tilespmem:v3+s8+$0x0], $0xffff  }
0x4b: {  	s15 =	sadd.s32 s15, s14;
	[tilespmem:s19+$0x2080] =	vst v4;
	v4 =	vadd.s32 $0xC00, v2  }
0x4c: {  	s15 =	sadd.s32 s17, s15;
	v5 =	vld.idx.msk [tilespmem:v5+s8+$0x0], $0xffff  }
0x4d: {  	[tilespmem:s15+$0x0] =	vst v6;
	v6 =	vadd.s32 $0x1600, v7  }
0x4e: {  	v1 =	vld.idx.msk [tilespmem:v1+s8+$0x0], $0xffff  }
0x4f: {  	[tilespmem:s16+$0x280] =	vst v3;
	v3 =	vadd.s32 $0x400, v0  }
0x50: {  	v4 =	vld.idx.msk [tilespmem:v4+s8+$0x0], $0xffff  }
0x51: {  	[tilespmem:s19+$0x2100] =	vst v5;
	v5 =	vadd.s32 $0xE00, v2  }
0x52: {  	v6 =	vld.idx.msk [tilespmem:v6+s8+$0x0], $0xffff  }
0x53: {  	[tilespmem:s15+$0x80] =	vst v1;
	v1 =	vadd.s32 $0x1800, v7  }
0x54: {  	v3 =	vld.idx.msk [tilespmem:v3+s8+$0x0], $0xffff  }
0x55: {  	[tilespmem:s16+$0x300] =	vst v4;
	v4 =	vadd.s32 $0x600, v0  }
0x56: {  	v5 =	vld.idx.msk [tilespmem:v5+s8+$0x0], $0xffff  }
0x57: {  	[tilespmem:s19+$0x2180] =	vst v6;
	v6 =	vadd.s32 $0x1000, v2  }
0x58: {  	v8 =	vld.idx.msk [tilespmem:v1+s8+$0x0], $0xffff  }
0x59: {  	s20 =	simm.s32 $0x180;
	[tilespmem:s15+$0x100] =	vst v3;
	v3 =	vadd.s32 $0x1A00, v7  }
0x5a: {  	s22 =	simm.s32 $0x30;
	s17 =	sand.u32 $0x1C00, s20;
	v4 =	vld.idx.msk [tilespmem:v4+s8+$0x0], $0xffff  }
0x5b: {  	s20 =	sadd.s32 s17, s21;
	s18 =	sand.u32 $0x70, s22;
	[tilespmem:s16+$0x380] =	vst v5;
	v5 =	vadd.s32 $0x800, v0  }
0x5c: {  	s20 =	sadd.s32 s18, s20;
	v6 =	vld.idx.msk [tilespmem:v6+s8+$0x0], $0xffff  }
0x5d: {  	v1 =	vld [tilespmem:s20+$0x0];
	[tilespmem:s19+$0x2200] =	vst v8;
	v8 =	vadd.s32 $0x1200, v2  }
0x5e: {  	v3 =	vld.idx.msk [tilespmem:v3+s8+$0x0], $0xffff  }
0x5f: {  	[tilespmem:s15+$0x180] =	vst v4;
	v4 =	vadd.s32 $0x1C00, v7  }
0x60: {  	v5 =	vld.idx.msk [tilespmem:v5+s8+$0x0], $0xffff  }
0x61: {  	[tilespmem:s16+$0x2000] =	vst v6;
	v6 =	vadd.s32 $0xA00, v0  }
0x62: {  	v8 =	vld.idx.msk [tilespmem:v8+s8+$0x0], $0xffff  }
0x63: {  	[tilespmem:s19+$0x2280] =	vst v3;
	v3 =	vadd.s32 $0x1400, v2  }
0x64: {  	v4 =	vld.idx.msk [tilespmem:v4+s8+$0x0], $0xffff  }
0x65: {  	v9 =	vld.idx.msk [tilespmem:v1+s8+$0x0], $0xffff;
	[tilespmem:s15+$0x200] =	vst v5;
	v5 =	vadd.s32 $0x1E00, v7  }
0x66: {  	v10 =	vadd.s32 $0x200, v1;
	v6 =	vld.idx.msk [tilespmem:v6+s8+$0x0], $0xffff  }
0x67: {  	[tilespmem:s16+$0x2080] =	vst v8;
	v8 =	vadd.s32 $0xC00, v0  }
0x68: {  	s17 =	sadd.s32 s17, s14;
	v3 =	vld.idx.msk [tilespmem:v3+s8+$0x0], $0xffff  }
0x69: {  	s17 =	sadd.s32 s18, s17;
	[tilespmem:s19+$0x2300] =	vst v4;
	v4 =	vadd.s32 $0x1600, v2  }
0x6a: {  	[tilespmem:s17+$0x0] =	vst v9;
	v5 =	vld.idx.msk [tilespmem:v5+s8+$0x0], $0xffff  }
0x6b: {  	v9 =	vld.idx.msk [tilespmem:v10+s8+$0x0], $0xffff;
	[tilespmem:s15+$0x280] =	vst v6;
	v6 =	vadd.s32 $0x2000, v7  }
0x6c: {  	v10 =	vadd.s32 $0x400, v1;
	v8 =	vld.idx.msk [tilespmem:v8+s8+$0x0], $0xffff  }
0x6d: {  	[tilespmem:s16+$0x2100] =	vst v3;
	v3 =	vadd.s32 $0xE00, v0  }
0x6e: {  	v4 =	vld.idx.msk [tilespmem:v4+s8+$0x0], $0xffff  }
0x6f: {  	[tilespmem:s19+$0x2380] =	vst v5;
	v5 =	vadd.s32 $0x1800, v2  }
0x70: {  	[tilespmem:s17+$0x80] =	vst v9;
	v6 =	vld.idx.msk [tilespmem:v6+s8+$0x0], $0xffff  }
0x71: {  	v9 =	vld.idx.msk [tilespmem:v10+s8+$0x0], $0xffff;
	[tilespmem:s15+$0x300] =	vst v8;
	v8 =	vadd.s32 $0x2200, v7  }
0x72: {  	v10 =	vadd.s32 $0x600, v1;
	v3 =	vld.idx.msk [tilespmem:v3+s8+$0x0], $0xffff  }
0x73: {  	[tilespmem:s16+$0x2180] =	vst v4;
	v4 =	vadd.s32 $0x1000, v0  }
0x74: {  	v5 =	vld.idx.msk [tilespmem:v5+s8+$0x0], $0xffff  }
0x75: {  	s23 =	simm.s32 $0x200;
	[tilespmem:s19+$0x4000] =	vst v6;
	v6 =	vadd.s32 $0x1A00, v2  }
0x76: {  	s24 =	simm.s32 $0x40;
	s18 =	sand.u32 $0x1C00, s23;
	[tilespmem:s17+$0x100] =	vst v9;
	v8 =	vld.idx.msk [tilespmem:v8+s8+$0x0], $0xffff  }
0x77: {  	s22 =	sadd.s32 s18, s21;
	s20 =	sand.u32 $0x70, s24;
	v9 =	vld.idx.msk [tilespmem:v10+s8+$0x0], $0xffff;
	v10 =	vadd.s32 $0x2400, v7;
	[tilespmem:s15+$0x380] =	vst v3  }
0x78: {  	s22 =	sadd.s32 s20, s22;
	v11 =	vadd.s32 $0x800, v1;
	v4 =	vld.idx.msk [tilespmem:v4+s8+$0x0], $0xffff  }
0x79: {  	v3 =	vld [tilespmem:s22+$0x0];
	[tilespmem:s16+$0x2200] =	vst v5;
	v5 =	vadd.s32 $0x1200, v0  }
0x7a: {  	v6 =	vld.idx.msk [tilespmem:v6+s8+$0x0], $0xffff  }
0x7b: {  	[tilespmem:s19+$0x4080] =	vst v8;
	v8 =	vadd.s32 $0x1C00, v2  }
0x7c: {  	[tilespmem:s17+$0x180] =	vst v9;
	v9 =	vld.idx.msk [tilespmem:v10+s8+$0x0], $0xffff  }
0x7d: {  	v10 =	vld.idx.msk [tilespmem:v11+s8+$0x0], $0xffff;
	[tilespmem:s15+$0x2000] =	vst v4;
	v4 =	vadd.s32 $0x2600, v7  }
0x7e: {  	v11 =	vadd.s32 $0xA00, v1;
	v5 =	vld.idx.msk [tilespmem:v5+s8+$0x0], $0xffff  }
0x7f: {  	[tilespmem:s16+$0x2280] =	vst v6  }
0x80: {  	v6 =	vadd.s32 $0x1400, v0;
	v8 =	vld.idx.msk [tilespmem:v8+s8+$0x0], $0xffff  }
0x81: {  	v12 =	vld.idx.msk [tilespmem:v3+s8+$0x0], $0xffff;
	[tilespmem:s19+$0x4100] =	vst v9;
	v9 =	vadd.s32 $0x1E00, v2  }
0x82: {  	[tilespmem:s17+$0x200] =	vst v10;
	v10 =	vadd.s32 $0x200, v3;
	v4 =	vld.idx.msk [tilespmem:v4+s8+$0x0], $0xffff  }
0x83: {  	v11 =	vld.idx.msk [tilespmem:v11+s8+$0x0], $0xffff;
	[tilespmem:s15+$0x2080] =	vst v5;
	v5 =	vadd.s32 $0x2800, v7  }
0x84: {  	s18 =	sadd.s32 s18, s14;
	v13 =	vadd.s32 $0xC00, v1  }
0x85: {  	s18 =	sadd.s32 s20, s18;
	v6 =	vld.idx.msk [tilespmem:v6+s8+$0x0], $0xffff;
	[tilespmem:s16+$0x2300] =	vst v8  }
0x86: {  	[tilespmem:s18+$0x0] =	vst v12;
	v8 =	vadd.s32 $0x1600, v0;
	v9 =	vld.idx.msk [tilespmem:v9+s8+$0x0], $0xffff  }
0x87: {  	v10 =	vld.idx.msk [tilespmem:v10+s8+$0x0], $0xffff;
	[tilespmem:s19+$0x4180] =	vst v4;
	v4 =	vadd.s32 $0x2000, v2  }
0x88: {  	[tilespmem:s17+$0x280] =	vst v11;
	v11 =	vadd.s32 $0x400, v3;
	v5 =	vld.idx.msk [tilespmem:v5+s8+$0x0], $0xffff  }
0x89: {  	v12 =	vld.idx.msk [tilespmem:v13+s8+$0x0], $0xffff  }
0x8a: {  	s25 =	simm.s32 $0x280;
	[tilespmem:s15+$0x2100] =	vst v6;
	v6 =	vadd.s32 $0x2A00, v7  }
0x8b: {  	s26 =	simm.s32 $0x50;
	s20 =	sand.u32 $0x1C00, s25;
	v13 =	vadd.s32 $0xE00, v1;
	v8 =	vld.idx.msk [tilespmem:v8+s8+$0x0], $0xffff;
	[tilespmem:s16+$0x2380] =	vst v9  }
0x8c: {  	s24 =	sand.u32 $0x70, s26;
	s29 =	sadd.s32 s20, s21;
	v9 =	vadd.s32 $0x1800, v0;
	[tilespmem:s18+$0x80] =	vst v10;
	v10 =	vld.idx.msk [tilespmem:v4+s8+$0x0], $0xffff  }
0x8d: {  	s22 =	sadd.s32 s24, s29;
	v11 =	vld.idx.msk [tilespmem:v11+s8+$0x0], $0xffff;
	[tilespmem:s19+$0x4200] =	vst v5;
	v5 =	vadd.s32 $0x2200, v2  }
0x8e: {  	v4 =	vld [tilespmem:s22+$0x0];
	[tilespmem:s17+$0x300] =	vst v12;
	v12 =	vadd.s32 $0x600, v3  }
0x8f: {  	v6 =	vld.idx.msk [tilespmem:v6+s8+$0x0], $0xffff  }
0x90: {  	s30 =	simm.s32 $0x300;
	v13 =	vld.idx.msk [tilespmem:v13+s8+$0x0], $0xffff;
	[tilespmem:s15+$0x2180] =	vst v8;
	v8 =	vadd.s32 $0x2C00, v7  }
0x91: {  	s23 =	simm.s32 $0x60;
	v14 =	vadd.s32 $0x1000, v1;
	s22 =	sand.u32 $0x1C00, s30;
	v9 =	vld.idx.msk [tilespmem:v9+s8+$0x0], $0xffff;
	[tilespmem:s16+$0x4000] =	vst v10  }
0x92: {  	s23 =	sand.u32 $0x70, s23;
	s25 =	sadd.s32 s22, s21;
	v10 =	vadd.s32 $0x1A00, v0;
	[tilespmem:s18+$0x100] =	vst v11;
	v11 =	vld.idx.msk [tilespmem:v5+s8+$0x0], $0xffff  }
0x93: {  	s25 =	sadd.s32 s23, s25;
	v12 =	vld.idx.msk [tilespmem:v12+s8+$0x0], $0xffff  }
0x94: {  	v5 =	vld [tilespmem:s25+$0x0];
	[tilespmem:s19+$0x4280] =	vst v6;
	v6 =	vadd.s32 $0x2400, v2  }
0x95: {  	[tilespmem:s17+$0x380] =	vst v13;
	v13 =	vadd.s32 $0x800, v3;
	v8 =	vld.idx.msk [tilespmem:v8+s8+$0x0], $0xffff  }
0x96: {  	v14 =	vld.idx.msk [tilespmem:v14+s8+$0x0], $0xffff;
	[tilespmem:s15+$0x2200] =	vst v9;
	v9 =	vadd.s32 $0x2E00, v7  }
0x97: {  	v15 =	vadd.s32 $0x1200, v1;
	v10 =	vld.idx.msk [tilespmem:v10+s8+$0x0], $0xffff  }
0x98: {  	v16 =	vld.idx.msk [tilespmem:v4+s8+$0x0], $0xffff;
	[tilespmem:s16+$0x4080] =	vst v11  }
0x99: {  	v11 =	vadd.s32 $0x1C00, v0;
	[tilespmem:s18+$0x180] =	vst v12;
	v6 =	vld.idx.msk [tilespmem:v6+s8+$0x0], $0xffff  }
0x9a: {  	v12 =	vld.idx.msk [tilespmem:v13+s8+$0x0], $0xffff;
	[tilespmem:s19+$0x4300] =	vst v8;
	v8 =	vadd.s32 $0x2600, v2  }
0x9b: {  	v13 =	vadd.s32 $0xA00, v3;
	[tilespmem:s17+$0x2000] =	vst v14;
	v9 =	vld.idx.msk [tilespmem:v9+s8+$0x0], $0xffff  }
0x9c: {  	v14 =	vld.idx.msk [tilespmem:v15+s8+$0x0], $0xffff;
	[tilespmem:s15+$0x2280] =	vst v10;
	v10 =	vadd.s32 $0x3000, v7  }
0x9d: {  	v15 =	vadd.s32 $0x1400, v1;
	v18 =	vld.idx.msk [tilespmem:v5+s8+$0x0], $0xffff  }
0x9e: {  	v19 =	vadd.s32 $0x200, v5;
	v11 =	vld.idx.msk [tilespmem:v11+s8+$0x0], $0xffff;
	[tilespmem:s16+$0x4100] =	vst v6  }
0x9f: {  	v6 =	vadd.s32 $0x1E00, v0;
	[tilespmem:s18+$0x200] =	vst v12;
	v8 =	vld.idx.msk [tilespmem:v8+s8+$0x0], $0xffff  }
0xa0: {  	s22 =	sadd.s32 s22, s14;
	v12 =	vadd.s32 $0x200, v4;
	v13 =	vld.idx.msk [tilespmem:v13+s8+$0x0], $0xffff;
	[tilespmem:s19+$0x4380] =	vst v9  }
0xa1: {  	s22 =	sadd.s32 s23, s22;
	v9 =	vadd.s32 $0x2800, v2;
	[tilespmem:s17+$0x2080] =	vst v14;
	v10 =	vld.idx.msk [tilespmem:v10+s8+$0x0], $0xffff  }
0xa2: {  	s20 =	sadd.s32 s20, s14;
	v14 =	vadd.s32 $0xC00, v3;
	[tilespmem:s22+$0x0] =	vst v18;
	v15 =	vld.idx.msk [tilespmem:v15+s8+$0x0], $0xffff  }
0xa3: {  	s20 =	sadd.s32 s24, s20;
	v18 =	vld.idx.msk [tilespmem:v19+s8+$0x0], $0xffff;
	[tilespmem:s15+$0x2300] =	vst v11;
	v11 =	vadd.s32 $0x3200, v7  }
0xa4: {  	[tilespmem:s20+$0x0] =	vst v16;
	v16 =	vadd.s32 $0x1600, v1;
	v6 =	vld.idx.msk [tilespmem:v6+s8+$0x0], $0xffff  }
0xa5: {  	v19 =	vadd.s32 $0x400, v5;
	v12 =	vld.idx.msk [tilespmem:v12+s8+$0x0], $0xffff;
	[tilespmem:s16+$0x4180] =	vst v8  }
0xa6: {  	v8 =	vadd.s32 $0x2000, v0;
	[tilespmem:s18+$0x280] =	vst v13;
	v9 =	vld.idx.msk [tilespmem:v9+s8+$0x0], $0xffff  }
0xa7: {  	v13 =	vadd.s32 $0x400, v4;
	v14 =	vld.idx.msk [tilespmem:v14+s8+$0x0], $0xffff;
	[tilespmem:s19+$0x6000] =	vst v10  }
0xa8: {  	v10 =	vadd.s32 $0x2A00, v2;
	[tilespmem:s17+$0x2100] =	vst v15;
	v11 =	vld.idx.msk [tilespmem:v11+s8+$0x0], $0xffff  }
0xa9: {  	v15 =	vadd.s32 $0xE00, v3;
	[tilespmem:s22+$0x80] =	vst v18;
	v16 =	vld.idx.msk [tilespmem:v16+s8+$0x0], $0xffff  }
0xaa: {  	v18 =	vld.idx.msk [tilespmem:v19+s8+$0x0], $0xffff;
	[tilespmem:s15+$0x2380] =	vst v6;
	v6 =	vadd.s32 $0x3400, v7  }
0xab: {  	[tilespmem:s20+$0x80] =	vst v12;
	v12 =	vadd.s32 $0x1800, v1;
	v8 =	vld.idx.msk [tilespmem:v8+s8+$0x0], $0xffff  }
0xac: {  	v13 =	vld.idx.msk [tilespmem:v13+s8+$0x0], $0xffff;
	[tilespmem:s16+$0x4200] =	vst v9;
	v9 =	vadd.s32 $0x2200, v0  }
0xad: {  	[tilespmem:s18+$0x300] =	vst v14;
	v14 =	vadd.s32 $0x600, v4;
	v10 =	vld.idx.msk [tilespmem:v10+s8+$0x0], $0xffff  }
0xae: {  	v15 =	vld.idx.msk [tilespmem:v15+s8+$0x0], $0xffff;
	[tilespmem:s19+$0x6080] =	vst v11;
	v11 =	vadd.s32 $0x2C00, v2  }
0xaf: {  	[tilespmem:s17+$0x2180] =	vst v16;
	v16 =	vadd.s32 $0x1000, v3;
	v6 =	vld.idx.msk [tilespmem:v6+s8+$0x0], $0xffff  }
0xb0: {  	v12 =	vld.idx.msk [tilespmem:v12+s8+$0x0], $0xffff;
	[tilespmem:s15+$0x4000] =	vst v8  }
0xb1: {  	s31 =	simm.s32 $0x380;
	v8 =	vadd.s32 $0x3600, v7;
	[tilespmem:s20+$0x100] =	vst v13;
	v9 =	vld.idx.msk [tilespmem:v9+s8+$0x0], $0xffff  }
0xb2: {  	s24 =	sand.u32 $0x1C00, s31;
	s25 =	simm.s32 $0x70;
	v13 =	vadd.s32 $0x1A00, v1;
	v14 =	vld.idx.msk [tilespmem:v14+s8+$0x0], $0xffff;
	[tilespmem:s16+$0x4280] =	vst v10  }
0xb3: {  	s28 =	sadd.s32 s24, s21;
	s26 =	sand.u32 $0x70, s25;
	[tilespmem:s18+$0x380] =	vst v15;
	v10 =	vadd.s32 $0x2400, v0;
	v11 =	vld.idx.msk [tilespmem:v11+s8+$0x0], $0xffff  }
0xb4: {  	s28 =	sadd.s32 s26, s28;
	v15 =	vadd.s32 $0x800, v4;
	v16 =	vld.idx.msk [tilespmem:v16+s8+$0x0], $0xffff;
	[tilespmem:s19+$0x6100] =	vst v6  }
0xb5: {  	[tilespmem:s17+$0x2200] =	vst v12;
	v12 =	vadd.s32 $0x2E00, v2;
	v6 =	vld [tilespmem:s28+$0x0]  }
0xb6: {  	v17 =	vadd.s32 $0x1200, v3;
	[tilespmem:s22+$0x100] =	vst v18;
	v8 =	vld.idx.msk [tilespmem:v8+s8+$0x0], $0xffff  }
0xb7: {  	v13 =	vld.idx.msk [tilespmem:v13+s8+$0x0], $0xffff;
	[tilespmem:s15+$0x4080] =	vst v9;
	v9 =	vadd.s32 $0x3800, v7  }
0xb8: {  	[tilespmem:s20+$0x180] =	vst v14;
	v14 =	vadd.s32 $0x1C00, v1;
	v10 =	vld.idx.msk [tilespmem:v10+s8+$0x0], $0xffff  }
0xb9: {  	v15 =	vld.idx.msk [tilespmem:v15+s8+$0x0], $0xffff;
	[tilespmem:s16+$0x4300] =	vst v11;
	v11 =	vadd.s32 $0x2600, v0  }
0xba: {  	[tilespmem:s18+$0x2000] =	vst v16;
	v16 =	vadd.s32 $0xA00, v4;
	v12 =	vld.idx.msk [tilespmem:v12+s8+$0x0], $0xffff  }
0xbb: {  	v17 =	vld.idx.msk [tilespmem:v17+s8+$0x0], $0xffff;
	[tilespmem:s19+$0x6180] =	vst v8;
	v8 =	vadd.s32 $0x3000, v2  }
0xbc: {  	[tilespmem:s17+$0x2280] =	vst v13;
	v13 =	vadd.s32 $0x1400, v3;
	v9 =	vld.idx.msk [tilespmem:v9+s8+$0x0], $0xffff  }
0xbd: {  	v14 =	vld.idx.msk [tilespmem:v14+s8+$0x0], $0xffff;
	[tilespmem:s15+$0x4100] =	vst v10;
	v10 =	vadd.s32 $0x3A00, v7  }
0xbe: {  	[tilespmem:s20+$0x200] =	vst v15;
	v15 =	vadd.s32 $0x1E00, v1;
	v11 =	vld.idx.msk [tilespmem:v11+s8+$0x0], $0xffff  }
0xbf: {  	v16 =	vld.idx.msk [tilespmem:v16+s8+$0x0], $0xffff;
	[tilespmem:s16+$0x4380] =	vst v12;
	v12 =	vadd.s32 $0x2800, v0  }
0xc0: {  	[tilespmem:s18+$0x2080] =	vst v17;
	v17 =	vadd.s32 $0xC00, v4;
	v8 =	vld.idx.msk [tilespmem:v8+s8+$0x0], $0xffff  }
0xc1: {  	v13 =	vld.idx.msk [tilespmem:v13+s8+$0x0], $0xffff;
	[tilespmem:s19+$0x6200] =	vst v9;
	v9 =	vadd.s32 $0x3200, v2  }
0xc2: {  	[tilespmem:s17+$0x2300] =	vst v14;
	v14 =	vadd.s32 $0x1600, v3;
	v10 =	vld.idx.msk [tilespmem:v10+s8+$0x0], $0xffff  }
0xc3: {  	v15 =	vld.idx.msk [tilespmem:v15+s8+$0x0], $0xffff;
	[tilespmem:s15+$0x4180] =	vst v11;
	v11 =	vadd.s32 $0x3C00, v7  }
0xc4: {  	[tilespmem:s20+$0x280] =	vst v16;
	v16 =	vadd.s32 $0x2000, v1;
	v12 =	vld.idx.msk [tilespmem:v12+s8+$0x0], $0xffff  }
0xc5: {  	v17 =	vld.idx.msk [tilespmem:v17+s8+$0x0], $0xffff;
	[tilespmem:s16+$0x6000] =	vst v8;
	v8 =	vadd.s32 $0x2A00, v0  }
0xc6: {  	[tilespmem:s18+$0x2100] =	vst v13;
	v13 =	vadd.s32 $0xE00, v4;
	v9 =	vld.idx.msk [tilespmem:v9+s8+$0x0], $0xffff  }
0xc7: {  	v14 =	vld.idx.msk [tilespmem:v14+s8+$0x0], $0xffff;
	[tilespmem:s19+$0x6280] =	vst v10;
	v10 =	vadd.s32 $0x3400, v2  }
0xc8: {  	[tilespmem:s17+$0x2380] =	vst v15;
	v15 =	vadd.s32 $0x1800, v3;
	v11 =	vld.idx.msk [tilespmem:v11+s8+$0x0], $0xffff  }
0xc9: {  	v19 =	vadd.s32 $0x600, v5;
	v16 =	vld.idx.msk [tilespmem:v16+s8+$0x0], $0xffff;
	[tilespmem:s15+$0x4200] =	vst v12  }
0xca: {  	v7 =	vadd.s32 $0x3E00, v7;
	[tilespmem:s20+$0x300] =	vst v17;
	v8 =	vld.idx.msk [tilespmem:v8+s8+$0x0], $0xffff  }
0xcb: {  	v17 =	vadd.s32 $0x2200, v1;
	v20 =	vld.idx.msk [tilespmem:v13+s8+$0x0], $0xffff;
	[tilespmem:s16+$0x6080] =	vst v9  }
0xcc: {  	[tilespmem:s18+$0x2180] =	vst v14;
	v9 =	vadd.s32 $0x2C00, v0;
	v12 =	vld.idx.msk [tilespmem:v10+s8+$0x0], $0xffff  }
0xcd: {  	v13 =	vld.idx.msk [tilespmem:v15+s8+$0x0], $0xffff;
	v15 =	vadd.s32 $0x1000, v4;
	[tilespmem:s19+$0x6300] =	vst v11  }
0xce: {  	v10 =	vadd.s32 $0x3600, v2;
	[tilespmem:s17+$0x4000] =	vst v16;
	v16 =	vld.idx.msk [tilespmem:v19+s8+$0x0], $0xffff  }
0xcf: {  	v14 =	vadd.s32 $0x1A00, v3;
	v11 =	vld.idx.msk [tilespmem:v7+s8+$0x0], $0xffff  }
0xd0: {  	v7 =	vld.idx.msk [tilespmem:v17+s8+$0x0], $0xffff;
	[tilespmem:s15+$0x4280] =	vst v8  }
0xd1: {  	s23 =	sadd.s32 s4, s12;
	s28 =	simm.s32 $0x400;
	[tilespmem:s20+$0x380] =	vst v20;
	v8 =	vadd.s32 $0x2400, v1;
	v9 =	vld.idx.msk [tilespmem:v9+s8+$0x0], $0xffff  }
.LBB2_3:
0xd2: {  	s29 =	sand.u32 $0x1C00, s28;
	p0 =	sne.s32 s28, $0x1F80;
	s25 =	sadd.s32 $0x10, s25;
	v17 =	vadd.s32 $0x800, v5;
	v15 =	vld.idx.msk [tilespmem:v15+s8+$0x0], $0xffff;
	[tilespmem:s16+$0x6100] =	vst v12  }
0xd3: {  	v12 =	vadd.s32 $0x2E00, v0;
	s30 =	sand.u32 $0x70, s25;
	s31 =	sadd.s32 s29, s21;
	[tilespmem:s18+$0x2200] =	vst v13;
	v10 =	vld.idx.msk [tilespmem:v10+s8+$0x0], $0xffff  }
0xd4: {  	v13 =	vadd.s32 $0x1200, v4;
	s31 =	sadd.s32 s30, s31;
	v14 =	vld.idx.msk [tilespmem:v14+s8+$0x0], $0xffff;
	[tilespmem:s19+$0x6380] =	vst v11;
	s19 =	smov.u32 s16;
	s16 =	smov.u32 s15  }
0xd5: {  	s15 =	smov.u32 s17;
	v11 =	vld [tilespmem:s31+$0x0];
	[tilespmem:s17+$0x4080] =	vst v7;
	v7 =	vadd.s32 $0x3800, v2;
	s17 =	smov.u32 s18;
	s18 =	smov.u32 s20  }
0xd6: {  	s20 =	smov.u32 s22;
	[tilespmem:s22+$0x180] =	vst v16;
	v16 =	vadd.s32 $0x1C00, v3;
	v8 =	vld.idx.msk [tilespmem:v8+s8+$0x0], $0xffff  }
0xd7: {  	v17 =	vld.idx.msk [tilespmem:v17+s8+$0x0], $0xffff;
	[tilespmem:s16+$0x4300] =	vst v9  }
0xd8: {  	v9 =	vadd.s32 $0x2600, v1;
	[tilespmem:s18+$0x2000] =	vst v15;
	v12 =	vld.idx.msk [tilespmem:v12+s8+$0x0], $0xffff  }
0xd9: {  	v15 =	vadd.s32 $0xA00, v5;
	v13 =	vld.idx.msk [tilespmem:v13+s8+$0x0], $0xffff;
	[tilespmem:s19+$0x6180] =	vst v10  }
0xda: {  	v10 =	vadd.s32 $0x3000, v0;
	[tilespmem:s17+$0x2280] =	vst v14;
	v7 =	vld.idx.msk [tilespmem:v7+s8+$0x0], $0xffff  }
0xdb: {  	v14 =	vadd.s32 $0x1400, v4;
	v16 =	vld.idx.msk [tilespmem:v16+s8+$0x0], $0xffff  }
0xdc: {  	v18 =	vld.idx.msk [tilespmem:v6+s8+$0x0], $0xffff;
	[tilespmem:s15+$0x4100] =	vst v8;
	v8 =	vadd.s32 $0x3A00, v2  }
0xdd: {  	[tilespmem:s20+$0x200] =	vst v17;
	v17 =	vadd.s32 $0x1E00, v3;
	v9 =	vld.idx.msk [tilespmem:v9+s8+$0x0], $0xffff  }
0xde: {  	v19 =	vadd.s32 $0x200, v6;
	v15 =	vld.idx.msk [tilespmem:v15+s8+$0x0], $0xffff;
	[tilespmem:s16+$0x4380] =	vst v12  }
0xdf: {  	v12 =	vadd.s32 $0x2800, v1;
	[tilespmem:s18+$0x2080] =	vst v13;
	v10 =	vld.idx.msk [tilespmem:v10+s8+$0x0], $0xffff  }
0xe0: {  	s22 =	sadd.s32 s24, s14;
	s24 =	smov.u32 s29;
	v13 =	vadd.s32 $0xC00, v5;
	v14 =	vld.idx.msk [tilespmem:v14+s8+$0x0], $0xffff;
	[tilespmem:s19+$0x6200] =	vst v7  }
0xe1: {  	s22 =	sadd.s32 s26, s22;
	s26 =	smov.u32 s30;
	v7 =	vadd.s32 $0x3200, v0;
	[tilespmem:s17+$0x2300] =	vst v16;
	v8 =	vld.idx.msk [tilespmem:v8+s8+$0x0], $0xffff  }
0xe2: {  	v16 =	vadd.s32 $0x1600, v4;
	[tilespmem:s22+$0x0] =	vst v18;
	v17 =	vld.idx.msk [tilespmem:v17+s8+$0x0], $0xffff  }
0xe3: {  	v18 =	vld.idx.msk [tilespmem:v19+s8+$0x0], $0xffff;
	[tilespmem:s15+$0x4180] =	vst v9;
	v9 =	vadd.s32 $0x3C00, v2  }
0xe4: {  	[tilespmem:s20+$0x280] =	vst v15;
	v15 =	vadd.s32 $0x2000, v3;
	v12 =	vld.idx.msk [tilespmem:v12+s8+$0x0], $0xffff  }
0xe5: {  	v19 =	vadd.s32 $0x400, v6;
	v13 =	vld.idx.msk [tilespmem:v13+s8+$0x0], $0xffff;
	[tilespmem:s16+$0x6000] =	vst v10  }
0xe6: {  	v10 =	vadd.s32 $0x2A00, v1;
	[tilespmem:s18+$0x2100] =	vst v14;
	v7 =	vld.idx.msk [tilespmem:v7+s8+$0x0], $0xffff  }
0xe7: {  	v14 =	vadd.s32 $0xE00, v5;
	v16 =	vld.idx.msk [tilespmem:v16+s8+$0x0], $0xffff;
	[tilespmem:s19+$0x6280] =	vst v8  }
0xe8: {  	v8 =	vadd.s32 $0x3400, v0;
	[tilespmem:s17+$0x2380] =	vst v17;
	v9 =	vld.idx.msk [tilespmem:v9+s8+$0x0], $0xffff  }
0xe9: {  	v17 =	vadd.s32 $0x1800, v4;
	[tilespmem:s22+$0x80] =	vst v18;
	v18 =	vld.idx.msk [tilespmem:v15+s8+$0x0], $0xffff  }
0xea: {  	v20 =	vadd.s32 $0x3E00, v2;
	v2 =	vmovc v0;
	v0 =	vmovc v1;
	v1 =	vmov v3;
	v3 =	vmov v4;
	v19 =	vld.idx.msk [tilespmem:v19+s8+$0x0], $0xffff;
	[tilespmem:s15+$0x4200] =	vst v12  }
0xeb: {  	v21 =	vadd.s32 $0x2200, v1;
	v4 =	vmovc v5;
	v5 =	vmov v6;
	v6 =	vmov v11;
	[tilespmem:s20+$0x300] =	vst v13;
	v22 =	vld.idx.msk [tilespmem:v10+s8+$0x0], $0xffff  }
0xec: {  	v23 =	vadd.s32 $0x600, v5;
	v24 =	vld.idx.msk [tilespmem:v14+s8+$0x0], $0xffff;
	[tilespmem:s16+$0x6080] =	vst v7  }
0xed: {  	v25 =	vadd.s32 $0x2C00, v0;
	[tilespmem:s18+$0x2180] =	vst v16;
	v12 =	vld.idx.msk [tilespmem:v8+s8+$0x0], $0xffff  }
.Ltmp0:
0xee: {  	v15 =	vadd.s32 $0x1000, v4;
	v13 =	vld.idx.msk [tilespmem:v17+s8+$0x0], $0xffff;
	[tilespmem:s19+$0x6300] =	vst v9;
	(pc) =	sbr.rel @p0 .LBB2_3-.Ltmp0, $4  }
0xef: {  	v10 =	vadd.s32 $0x3600, v2;
	[tilespmem:s17+$0x4000] =	vst v18;
	v11 =	vld.idx.msk [tilespmem:v20+s8+$0x0], $0xffff  }
0xf0: {  	v14 =	vadd.s32 $0x1A00, v3;
	[tilespmem:s22+$0x100] =	vst v19;
	v7 =	vld.idx.msk [tilespmem:v21+s8+$0x0], $0xffff  }
0xf1: {  	v16 =	vld.idx.msk [tilespmem:v23+s8+$0x0], $0xffff;
	[tilespmem:s15+$0x4280] =	vst v22  }
0xf2: {  	s28 =	sadd.s32 $0x80, s28;
	v8 =	vadd.s32 $0x2400, v1;
	[tilespmem:s20+$0x380] =	vst v24;
	v9 =	vld.idx.msk [tilespmem:v25+s8+$0x0], $0xffff  }
0xf3: {  	_ =	sdelay $0x3  }
0xf4: {  	v17 =	vld.idx.msk [tilespmem:v6+s8+$0x0], $0xffff  }
0xf5: {  	v18 =	vadd.s32 $0x200, v6;
	_ =	sdelay $0x1  }
0xf6: {  	s21 =	sadd.s32 s24, s14  }
0xf7: {  	s21 =	sadd.s32 s26, s21  }
0xf8: {  	[tilespmem:s21+$0x0] =	vst v17  }
0xf9: {  	v17 =	vld.idx.msk [tilespmem:v18+s8+$0x0], $0xffff  }
0xfa: {  	v50 =	vadd.s32 $0x400, v6;
	_ =	sdelay $0x3  }
0xfb: {  	[tilespmem:s21+$0x80] =	vst v17  }
0xfc: {  	v17 =	vld.idx.msk [tilespmem:v50+s8+$0x0], $0xffff  }
0xfd: {  	v51 =	vadd.s32 $0x600, v6;
	_ =	sdelay $0x3  }
0xfe: {  	[tilespmem:s21+$0x100] =	vst v17  }
0xff: {  	v52 =	vadd.s32 $0x800, v5;
	v18 =	vld.idx.msk [tilespmem:v51+s8+$0x0], $0xffff  }
0x100: {  	v19 =	vadd.s32 $0x800, v6;
	_ =	sdelay $0x2  }
0x101: {  	[tilespmem:s22+$0x180] =	vst v16  }
0x102: {  	v16 =	vld.idx.msk [tilespmem:v52+s8+$0x0], $0xffff;
	[tilespmem:s21+$0x180] =	vst v18  }
0x103: {  	v53 =	vadd.s32 $0xA00, v5;
	v18 =	vld.idx.msk [tilespmem:v19+s8+$0x0], $0xffff  }
0x104: {  	v54 =	vadd.s32 $0xA00, v6;
	_ =	sdelay $0x2  }
0x105: {  	[tilespmem:s22+$0x200] =	vst v16  }
0x106: {  	v16 =	vld.idx.msk [tilespmem:v53+s8+$0x0], $0xffff;
	[tilespmem:s21+$0x200] =	vst v18  }
0x107: {  	v55 =	vadd.s32 $0xC00, v5;
	v18 =	vld.idx.msk [tilespmem:v54+s8+$0x0], $0xffff  }
0x108: {  	v56 =	vadd.s32 $0xC00, v6;
	_ =	sdelay $0x2  }
0x109: {  	[tilespmem:s22+$0x280] =	vst v16  }
0x10a: {  	v16 =	vld.idx.msk [tilespmem:v55+s8+$0x0], $0xffff;
	[tilespmem:s21+$0x280] =	vst v18  }
0x10b: {  	v57 =	vadd.s32 $0xE00, v5;
	v18 =	vld.idx.msk [tilespmem:v56+s8+$0x0], $0xffff  }
0x10c: {  	v58 =	vadd.s32 $0xE00, v6;
	_ =	sdelay $0x2  }
0x10d: {  	[tilespmem:s22+$0x300] =	vst v16  }
0x10e: {  	v16 =	vld.idx.msk [tilespmem:v57+s8+$0x0], $0xffff;
	[tilespmem:s21+$0x300] =	vst v18  }
0x10f: {  	v59 =	vadd.s32 $0x1000, v5;
	v18 =	vld.idx.msk [tilespmem:v58+s8+$0x0], $0xffff  }
0x110: {  	v60 =	vadd.s32 $0x1000, v6;
	_ =	sdelay $0x2  }
0x111: {  	v15 =	vld.idx.msk [tilespmem:v15+s8+$0x0], $0xffff;
	[tilespmem:s22+$0x380] =	vst v16  }
0x112: {  	v61 =	vadd.s32 $0x1200, v4;
	v17 =	vld.idx.msk [tilespmem:v59+s8+$0x0], $0xffff;
	[tilespmem:s21+$0x380] =	vst v18  }
0x113: {  	v62 =	vadd.s32 $0x1200, v5;
	v19 =	vld.idx.msk [tilespmem:v60+s8+$0x0], $0xffff  }
0x114: {  	v20 =	vadd.s32 $0x1200, v6;
	_ =	sdelay $0x1  }
0x115: {  	[tilespmem:s20+$0x2000] =	vst v15  }
0x116: {  	v15 =	vld.idx.msk [tilespmem:v61+s8+$0x0], $0xffff;
	[tilespmem:s22+$0x2000] =	vst v17  }
0x117: {  	v63 =	vadd.s32 $0x1400, v4;
	v17 =	vld.idx.msk [tilespmem:v62+s8+$0x0], $0xffff;
	[tilespmem:s21+$0x2000] =	vst v19  }
0x118: {  	v24 =	vadd.s32 $0x1400, v5;
	v19 =	vld.idx.msk [tilespmem:v20+s8+$0x0], $0xffff  }
0x119: {  	v25 =	vadd.s32 $0x1400, v6;
	_ =	sdelay $0x1  }
0x11a: {  	[tilespmem:s20+$0x2080] =	vst v15  }
0x11b: {  	v15 =	vld.idx.msk [tilespmem:v63+s8+$0x0], $0xffff;
	[tilespmem:s22+$0x2080] =	vst v17  }
0x11c: {  	v26 =	vadd.s32 $0x1600, v4;
	v17 =	vld.idx.msk [tilespmem:v24+s8+$0x0], $0xffff;
	[tilespmem:s21+$0x2080] =	vst v19  }
0x11d: {  	v27 =	vadd.s32 $0x1600, v5;
	v19 =	vld.idx.msk [tilespmem:v25+s8+$0x0], $0xffff  }
0x11e: {  	v28 =	vadd.s32 $0x1600, v6;
	_ =	sdelay $0x1  }
0x11f: {  	[tilespmem:s20+$0x2100] =	vst v15  }
0x120: {  	v15 =	vld.idx.msk [tilespmem:v26+s8+$0x0], $0xffff;
	[tilespmem:s22+$0x2100] =	vst v17  }
0x121: {  	v29 =	vadd.s32 $0x1800, v4;
	v17 =	vld.idx.msk [tilespmem:v27+s8+$0x0], $0xffff;
	[tilespmem:s21+$0x2100] =	vst v19  }
0x122: {  	v30 =	vadd.s32 $0x1800, v5;
	v19 =	vld.idx.msk [tilespmem:v28+s8+$0x0], $0xffff  }
0x123: {  	v31 =	vadd.s32 $0x1800, v6;
	_ =	sdelay $0x1  }
0x124: {  	[tilespmem:s20+$0x2180] =	vst v15  }
0x125: {  	v15 =	vld.idx.msk [tilespmem:v29+s8+$0x0], $0xffff;
	[tilespmem:s22+$0x2180] =	vst v17  }
0x126: {  	v32 =	vadd.s32 $0x1A00, v4;
	v17 =	vld.idx.msk [tilespmem:v30+s8+$0x0], $0xffff;
	[tilespmem:s21+$0x2180] =	vst v19  }
0x127: {  	v33 =	vadd.s32 $0x1A00, v5;
	v19 =	vld.idx.msk [tilespmem:v31+s8+$0x0], $0xffff  }
0x128: {  	v34 =	vadd.s32 $0x1A00, v6  }
0x129: {  	[tilespmem:s18+$0x2200] =	vst v13  }
0x12a: {  	v13 =	vld.idx.msk [tilespmem:v14+s8+$0x0], $0xffff;
	[tilespmem:s20+$0x2200] =	vst v15  }
0x12b: {  	v35 =	vadd.s32 $0x1C00, v3;
	v15 =	vld.idx.msk [tilespmem:v32+s8+$0x0], $0xffff;
	[tilespmem:s22+$0x2200] =	vst v17  }
0x12c: {  	v36 =	vadd.s32 $0x1C00, v4;
	v17 =	vld.idx.msk [tilespmem:v33+s8+$0x0], $0xffff;
	[tilespmem:s21+$0x2200] =	vst v19  }
0x12d: {  	v37 =	vadd.s32 $0x1C00, v5;
	v19 =	vld.idx.msk [tilespmem:v34+s8+$0x0], $0xffff  }
0x12e: {  	v38 =	vadd.s32 $0x1C00, v6  }
0x12f: {  	[tilespmem:s18+$0x2280] =	vst v13  }
0x130: {  	v13 =	vld.idx.msk [tilespmem:v35+s8+$0x0], $0xffff;
	[tilespmem:s20+$0x2280] =	vst v15  }
0x131: {  	v39 =	vadd.s32 $0x1E00, v3;
	v15 =	vld.idx.msk [tilespmem:v36+s8+$0x0], $0xffff;
	[tilespmem:s22+$0x2280] =	vst v17  }
0x132: {  	v40 =	vadd.s32 $0x1E00, v4;
	v17 =	vld.idx.msk [tilespmem:v37+s8+$0x0], $0xffff;
	[tilespmem:s21+$0x2280] =	vst v19  }
0x133: {  	v41 =	vadd.s32 $0x1E00, v5;
	v19 =	vld.idx.msk [tilespmem:v38+s8+$0x0], $0xffff  }
0x134: {  	v42 =	vadd.s32 $0x1E00, v6  }
0x135: {  	[tilespmem:s18+$0x2300] =	vst v13  }
0x136: {  	v13 =	vld.idx.msk [tilespmem:v39+s8+$0x0], $0xffff;
	[tilespmem:s20+$0x2300] =	vst v15  }
0x137: {  	v43 =	vadd.s32 $0x2000, v3;
	v15 =	vld.idx.msk [tilespmem:v40+s8+$0x0], $0xffff;
	[tilespmem:s22+$0x2300] =	vst v17  }
0x138: {  	v44 =	vadd.s32 $0x2000, v4;
	v17 =	vld.idx.msk [tilespmem:v41+s8+$0x0], $0xffff;
	[tilespmem:s21+$0x2300] =	vst v19  }
0x139: {  	v45 =	vadd.s32 $0x2000, v5;
	v19 =	vld.idx.msk [tilespmem:v42+s8+$0x0], $0xffff  }
0x13a: {  	v46 =	vadd.s32 $0x2000, v6  }
0x13b: {  	[tilespmem:s18+$0x2380] =	vst v13  }
0x13c: {  	v13 =	vld.idx.msk [tilespmem:v43+s8+$0x0], $0xffff;
	[tilespmem:s20+$0x2380] =	vst v15  }
0x13d: {  	v47 =	vadd.s32 $0x2200, v3;
	v15 =	vld.idx.msk [tilespmem:v44+s8+$0x0], $0xffff;
	[tilespmem:s22+$0x2380] =	vst v17  }
0x13e: {  	v48 =	vadd.s32 $0x2200, v4;
	v17 =	vld.idx.msk [tilespmem:v45+s8+$0x0], $0xffff;
	[tilespmem:s21+$0x2380] =	vst v19  }
0x13f: {  	[tilespmem:s16+$0x6100] =	vst v12;
	v49 =	vadd.s32 $0x2200, v5;
	v50 =	vld.idx.msk [tilespmem:v46+s8+$0x0], $0xffff  }
0x140: {  	[tilespmem:s19+$0x6380] =	vst v11;
	v51 =	vadd.s32 $0x2200, v6  }
0x141: {  	[tilespmem:s18+$0x4000] =	vst v13  }
0x142: {  	v13 =	vld.idx.msk [tilespmem:v47+s8+$0x0], $0xffff;
	[tilespmem:s20+$0x4000] =	vst v15  }
0x143: {  	v52 =	vadd.s32 $0x2400, v3;
	v15 =	vld.idx.msk [tilespmem:v48+s8+$0x0], $0xffff;
	[tilespmem:s22+$0x4000] =	vst v17  }
0x144: {  	v53 =	vadd.s32 $0x2400, v4;
	v12 =	vld.idx.msk [tilespmem:v49+s8+$0x0], $0xffff;
	[tilespmem:s21+$0x4000] =	vst v50  }
0x145: {  	[tilespmem:s17+$0x4080] =	vst v7;
	v54 =	vadd.s32 $0x2400, v5;
	v11 =	vld.idx.msk [tilespmem:v51+s8+$0x0], $0xffff  }
0x146: {  	v8 =	vld.idx.msk [tilespmem:v8+s8+$0x0], $0xffff;
	[tilespmem:s15+$0x4300] =	vst v9;
	v55 =	vadd.s32 $0x2400, v6  }
0x147: {  	v10 =	vld.idx.msk [tilespmem:v10+s8+$0x0], $0xffff;
	v57 =	vadd.s32 $0x2600, v1;
	[tilespmem:s18+$0x4080] =	vst v13  }
0x148: {  	v14 =	vld.idx.msk [tilespmem:v52+s8+$0x0], $0xffff;
	v56 =	vadd.s32 $0x2E00, v0;
	[tilespmem:s20+$0x4080] =	vst v15  }
0x149: {  	v58 =	vadd.s32 $0x2600, v3;
	v16 =	vld.idx.msk [tilespmem:v53+s8+$0x0], $0xffff;
	[tilespmem:s22+$0x4080] =	vst v12  }
0x14a: {  	v59 =	vadd.s32 $0x2600, v4;
	v7 =	vld.idx.msk [tilespmem:v54+s8+$0x0], $0xffff;
	[tilespmem:s21+$0x4080] =	vst v11  }
0x14b: {  	[tilespmem:s17+$0x4100] =	vst v8;
	v60 =	vadd.s32 $0x2600, v5;
	v9 =	vld.idx.msk [tilespmem:v55+s8+$0x0], $0xffff  }
0x14c: {  	[tilespmem:s16+$0x6180] =	vst v10;
	v13 =	vld.idx.msk [tilespmem:v57+s8+$0x0], $0xffff;
	v62 =	vadd.s32 $0x2600, v6  }
0x14d: {  	[tilespmem:s18+$0x4100] =	vst v14;
	v61 =	vld.idx.msk [tilespmem:v56+s8+$0x0], $0xffff;
	v20 =	vadd.s32 $0x2800, v1  }
0x14e: {  	v63 =	vadd.s32 $0x3800, v2;
	v15 =	vld.idx.msk [tilespmem:v58+s8+$0x0], $0xffff;
	[tilespmem:s20+$0x4100] =	vst v16  }
0x14f: {  	v21 =	vadd.s32 $0x2800, v3;
	v12 =	vld.idx.msk [tilespmem:v59+s8+$0x0], $0xffff;
	[tilespmem:s22+$0x4100] =	vst v7  }
0x150: {  	v22 =	vadd.s32 $0x2800, v4;
	v10 =	vld.idx.msk [tilespmem:v60+s8+$0x0], $0xffff;
	[tilespmem:s21+$0x4100] =	vst v9  }
0x151: {  	v23 =	vadd.s32 $0x2800, v5;
	[tilespmem:s17+$0x4180] =	vst v13;
	v8 =	vld.idx.msk [tilespmem:v62+s8+$0x0], $0xffff  }
0x152: {  	[tilespmem:s15+$0x4380] =	vst v61;
	v14 =	vld.idx.msk [tilespmem:v20+s8+$0x0], $0xffff;
	v25 =	vadd.s32 $0x2800, v6  }
0x153: {  	v24 =	vld.idx.msk [tilespmem:v63+s8+$0x0], $0xffff;
	v27 =	vadd.s32 $0x2A00, v1;
	[tilespmem:s18+$0x4180] =	vst v15  }
0x154: {  	v26 =	vadd.s32 $0x3000, v0;
	v16 =	vld.idx.msk [tilespmem:v21+s8+$0x0], $0xffff;
	[tilespmem:s20+$0x4180] =	vst v12  }
0x155: {  	v28 =	vadd.s32 $0x2A00, v3;
	v7 =	vld.idx.msk [tilespmem:v22+s8+$0x0], $0xffff;
	[tilespmem:s22+$0x4180] =	vst v10  }
0x156: {  	v29 =	vadd.s32 $0x2A00, v4;
	v9 =	vld.idx.msk [tilespmem:v23+s8+$0x0], $0xffff;
	[tilespmem:s21+$0x4180] =	vst v8  }
0x157: {  	v30 =	vadd.s32 $0x2A00, v5;
	[tilespmem:s17+$0x4200] =	vst v14;
	v31 =	vld.idx.msk [tilespmem:v25+s8+$0x0], $0xffff  }
0x158: {  	[tilespmem:s16+$0x6200] =	vst v24;
	v33 =	vadd.s32 $0x2A00, v6;
	v15 =	vld.idx.msk [tilespmem:v27+s8+$0x0], $0xffff  }
0x159: {  	v35 =	vadd.s32 $0x2C00, v1;
	v32 =	vld.idx.msk [tilespmem:v26+s8+$0x0], $0xffff;
	[tilespmem:s18+$0x4200] =	vst v16  }
0x15a: {  	v34 =	vadd.s32 $0x3A00, v2;
	v12 =	vld.idx.msk [tilespmem:v28+s8+$0x0], $0xffff;
	[tilespmem:s20+$0x4200] =	vst v7  }
0x15b: {  	v36 =	vadd.s32 $0x2C00, v3;
	v10 =	vld.idx.msk [tilespmem:v29+s8+$0x0], $0xffff;
	[tilespmem:s22+$0x4200] =	vst v9  }
0x15c: {  	v37 =	vadd.s32 $0x2C00, v4;
	v8 =	vld.idx.msk [tilespmem:v30+s8+$0x0], $0xffff;
	[tilespmem:s21+$0x4200] =	vst v31  }
0x15d: {  	[tilespmem:s17+$0x4280] =	vst v15;
	v38 =	vadd.s32 $0x2C00, v5;
	v39 =	vld.idx.msk [tilespmem:v33+s8+$0x0], $0xffff  }
0x15e: {  	[tilespmem:s15+$0x6000] =	vst v32;
	v41 =	vadd.s32 $0x2C00, v6;
	v16 =	vld.idx.msk [tilespmem:v35+s8+$0x0], $0xffff  }
0x15f: {  	v40 =	vld.idx.msk [tilespmem:v34+s8+$0x0], $0xffff;
	v42 =	vadd.s32 $0x3200, v0;
	[tilespmem:s18+$0x4280] =	vst v12  }
0x160: {  	v43 =	vadd.s32 $0x2E00, v1;
	v7 =	vld.idx.msk [tilespmem:v36+s8+$0x0], $0xffff;
	[tilespmem:s20+$0x4280] =	vst v10  }
0x161: {  	v44 =	vadd.s32 $0x2E00, v3;
	v9 =	vld.idx.msk [tilespmem:v37+s8+$0x0], $0xffff;
	[tilespmem:s22+$0x4280] =	vst v8  }
0x162: {  	v45 =	vadd.s32 $0x2E00, v4;
	v11 =	vld.idx.msk [tilespmem:v38+s8+$0x0], $0xffff;
	[tilespmem:s21+$0x4280] =	vst v39  }
0x163: {  	[tilespmem:s17+$0x4300] =	vst v16;
	v46 =	vadd.s32 $0x2E00, v5;
	v47 =	vld.idx.msk [tilespmem:v41+s8+$0x0], $0xffff  }
0x164: {  	v49 =	vadd.s32 $0x2E00, v6;
	[tilespmem:s16+$0x6280] =	vst v40;
	v48 =	vld.idx.msk [tilespmem:v42+s8+$0x0], $0xffff  }
0x165: {  	v58 =	vadd.s32 $0x3400, v0;
	v12 =	vld.idx.msk [tilespmem:v43+s8+$0x0], $0xffff;
	[tilespmem:s18+$0x4300] =	vst v7  }
0x166: {  	v51 =	vadd.s32 $0x3000, v1;
	v10 =	vld.idx.msk [tilespmem:v44+s8+$0x0], $0xffff;
	[tilespmem:s20+$0x4300] =	vst v9  }
0x167: {  	v52 =	vadd.s32 $0x3000, v3;
	v8 =	vld.idx.msk [tilespmem:v45+s8+$0x0], $0xffff;
	[tilespmem:s22+$0x4300] =	vst v11  }
0x168: {  	v53 =	vadd.s32 $0x3000, v4;
	v13 =	vld.idx.msk [tilespmem:v46+s8+$0x0], $0xffff;
	[tilespmem:s21+$0x4300] =	vst v47  }
0x169: {  	v54 =	vadd.s32 $0x3000, v5;
	[tilespmem:s15+$0x6080] =	vst v48;
	v55 =	vld.idx.msk [tilespmem:v49+s8+$0x0], $0xffff  }
0x16a: {  	v57 =	vadd.s32 $0x3000, v6;
	v63 =	vld.idx.msk [tilespmem:v58+s8+$0x0], $0xffff;
	[tilespmem:s17+$0x4380] =	vst v12  }
0x16b: {  	v50 =	vadd.s32 $0x3C00, v2;
	v7 =	vld.idx.msk [tilespmem:v51+s8+$0x0], $0xffff;
	[tilespmem:s18+$0x4380] =	vst v10  }
0x16c: {  	v59 =	vadd.s32 $0x3200, v1;
	v9 =	vld.idx.msk [tilespmem:v52+s8+$0x0], $0xffff;
	[tilespmem:s20+$0x4380] =	vst v8  }
0x16d: {  	v60 =	vadd.s32 $0x3200, v3;
	v11 =	vld.idx.msk [tilespmem:v53+s8+$0x0], $0xffff;
	[tilespmem:s22+$0x4380] =	vst v13  }
0x16e: {  	v61 =	vadd.s32 $0x3200, v4;
	v14 =	vld.idx.msk [tilespmem:v54+s8+$0x0], $0xffff;
	[tilespmem:s21+$0x4380] =	vst v55  }
0x16f: {  	[tilespmem:s15+$0x6100] =	vst v63;
	v62 =	vadd.s32 $0x3200, v5;
	v12 =	vld.idx.msk [tilespmem:v57+s8+$0x0], $0xffff  }
0x170: {  	v19 =	vadd.s32 $0x3200, v6;
	v56 =	vld.idx.msk [tilespmem:v50+s8+$0x0], $0xffff;
	[tilespmem:s17+$0x6000] =	vst v7  }
0x171: {  	v20 =	vadd.s32 $0x3E00, v2;
	v10 =	vld.idx.msk [tilespmem:v59+s8+$0x0], $0xffff;
	[tilespmem:s18+$0x6000] =	vst v9  }
0x172: {  	v21 =	vadd.s32 $0x3400, v1;
	v8 =	vld.idx.msk [tilespmem:v60+s8+$0x0], $0xffff;
	[tilespmem:s20+$0x6000] =	vst v11  }
0x173: {  	v22 =	vadd.s32 $0x3400, v3;
	v13 =	vld.idx.msk [tilespmem:v61+s8+$0x0], $0xffff;
	[tilespmem:s22+$0x6000] =	vst v14  }
0x174: {  	v23 =	vadd.s32 $0x3400, v4;
	v15 =	vld.idx.msk [tilespmem:v62+s8+$0x0], $0xffff;
	[tilespmem:s21+$0x6000] =	vst v12  }
0x175: {  	v24 =	vadd.s32 $0x3400, v5;
	[tilespmem:s16+$0x6300] =	vst v56;
	v7 =	vld.idx.msk [tilespmem:v19+s8+$0x0], $0xffff  }
0x176: {  	v2 =	vld.idx.msk [tilespmem:v20+s8+$0x0], $0xffff;
	[tilespmem:s17+$0x6080] =	vst v10;
	v25 =	vadd.s32 $0x3400, v6  }
0x177: {  	v26 =	vadd.s32 $0x3600, v0;
	v9 =	vld.idx.msk [tilespmem:v21+s8+$0x0], $0xffff;
	[tilespmem:s18+$0x6080] =	vst v8  }
0x178: {  	v27 =	vadd.s32 $0x3600, v1;
	v11 =	vld.idx.msk [tilespmem:v22+s8+$0x0], $0xffff;
	[tilespmem:s20+$0x6080] =	vst v13  }
0x179: {  	v28 =	vadd.s32 $0x3600, v3;
	v14 =	vld.idx.msk [tilespmem:v23+s8+$0x0], $0xffff;
	[tilespmem:s22+$0x6080] =	vst v15  }
0x17a: {  	v29 =	vadd.s32 $0x3600, v4;
	v12 =	vld.idx.msk [tilespmem:v24+s8+$0x0], $0xffff;
	[tilespmem:s21+$0x6080] =	vst v7  }
0x17b: {  	[tilespmem:s16+$0x6380] =	vst v2;
	v30 =	vadd.s32 $0x3600, v5;
	v7 =	vld.idx.msk [tilespmem:v25+s8+$0x0], $0xffff  }
0x17c: {  	v32 =	vadd.s32 $0x3600, v6;
	v31 =	vld.idx.msk [tilespmem:v26+s8+$0x0], $0xffff;
	[tilespmem:s17+$0x6100] =	vst v9  }
0x17d: {  	v33 =	vadd.s32 $0x3800, v0;
	v8 =	vld.idx.msk [tilespmem:v27+s8+$0x0], $0xffff;
	[tilespmem:s18+$0x6100] =	vst v11  }
0x17e: {  	v34 =	vadd.s32 $0x3800, v1;
	v13 =	vld.idx.msk [tilespmem:v28+s8+$0x0], $0xffff;
	[tilespmem:s20+$0x6100] =	vst v14  }
0x17f: {  	v35 =	vadd.s32 $0x3800, v3;
	v15 =	vld.idx.msk [tilespmem:v29+s8+$0x0], $0xffff;
	[tilespmem:s22+$0x6100] =	vst v12  }
0x180: {  	v36 =	vadd.s32 $0x3800, v4;
	v2 =	vld.idx.msk [tilespmem:v30+s8+$0x0], $0xffff;
	[tilespmem:s21+$0x6100] =	vst v7  }
0x181: {  	v37 =	vadd.s32 $0x3800, v5;
	[tilespmem:s15+$0x6180] =	vst v31;
	v9 =	vld.idx.msk [tilespmem:v32+s8+$0x0], $0xffff  }
0x182: {  	v38 =	vadd.s32 $0x3800, v6;
	v10 =	vld.idx.msk [tilespmem:v33+s8+$0x0], $0xffff;
	[tilespmem:s17+$0x6180] =	vst v8  }
0x183: {  	v39 =	vadd.s32 $0x3A00, v0;
	v11 =	vld.idx.msk [tilespmem:v34+s8+$0x0], $0xffff;
	[tilespmem:s18+$0x6180] =	vst v13  }
0x184: {  	v40 =	vadd.s32 $0x3A00, v1;
	v14 =	vld.idx.msk [tilespmem:v35+s8+$0x0], $0xffff;
	[tilespmem:s20+$0x6180] =	vst v15  }
0x185: {  	v41 =	vadd.s32 $0x3A00, v3;
	v12 =	vld.idx.msk [tilespmem:v36+s8+$0x0], $0xffff;
	[tilespmem:s22+$0x6180] =	vst v2  }
0x186: {  	v42 =	vadd.s32 $0x3A00, v4;
	v7 =	vld.idx.msk [tilespmem:v37+s8+$0x0], $0xffff;
	[tilespmem:s21+$0x6180] =	vst v9  }
0x187: {  	v43 =	vadd.s32 $0x3A00, v5;
	[tilespmem:s15+$0x6200] =	vst v10;
	v8 =	vld.idx.msk [tilespmem:v38+s8+$0x0], $0xffff  }
0x188: {  	v44 =	vadd.s32 $0x3A00, v6;
	v10 =	vld.idx.msk [tilespmem:v39+s8+$0x0], $0xffff;
	[tilespmem:s17+$0x6200] =	vst v11  }
0x189: {  	v45 =	vadd.s32 $0x3C00, v0;
	v13 =	vld.idx.msk [tilespmem:v40+s8+$0x0], $0xffff;
	[tilespmem:s18+$0x6200] =	vst v14  }
0x18a: {  	v46 =	vadd.s32 $0x3C00, v1;
	v15 =	vld.idx.msk [tilespmem:v41+s8+$0x0], $0xffff;
	[tilespmem:s20+$0x6200] =	vst v12  }
0x18b: {  	v47 =	vadd.s32 $0x3C00, v3;
	v2 =	vld.idx.msk [tilespmem:v42+s8+$0x0], $0xffff;
	[tilespmem:s22+$0x6200] =	vst v7  }
0x18c: {  	v48 =	vadd.s32 $0x3C00, v4;
	v9 =	vld.idx.msk [tilespmem:v43+s8+$0x0], $0xffff;
	[tilespmem:s21+$0x6200] =	vst v8  }
0x18d: {  	v49 =	vadd.s32 $0x3C00, v5;
	[tilespmem:s15+$0x6280] =	vst v10;
	v50 =	vld.idx.msk [tilespmem:v44+s8+$0x0], $0xffff  }
0x18e: {  	v52 =	vadd.s32 $0x3C00, v6;
	v51 =	vld.idx.msk [tilespmem:v45+s8+$0x0], $0xffff;
	[tilespmem:s17+$0x6280] =	vst v13  }
0x18f: {  	v53 =	vadd.s32 $0x3E00, v0;
	v14 =	vld.idx.msk [tilespmem:v46+s8+$0x0], $0xffff;
	[tilespmem:s18+$0x6280] =	vst v15  }
0x190: {  	v54 =	vadd.s32 $0x3E00, v1;
	v12 =	vld.idx.msk [tilespmem:v47+s8+$0x0], $0xffff;
	[tilespmem:s20+$0x6280] =	vst v2  }
0x191: {  	v55 =	vadd.s32 $0x3E00, v3;
	v56 =	vld.idx.msk [tilespmem:v48+s8+$0x0], $0xffff;
	[tilespmem:s22+$0x6280] =	vst v9  }
0x192: {  	v57 =	vadd.s32 $0x3E00, v4;
	v58 =	vld.idx.msk [tilespmem:v49+s8+$0x0], $0xffff;
	[tilespmem:s21+$0x6280] =	vst v50  }
0x193: {  	v59 =	vadd.s32 $0x3E00, v5;
	[tilespmem:s15+$0x6300] =	vst v51;
	v60 =	vld.idx.msk [tilespmem:v52+s8+$0x0], $0xffff  }
0x194: {  	v61 =	vadd.s32 $0x3E00, v6;
	v0 =	vld.idx.msk [tilespmem:v53+s8+$0x0], $0xffff;
	[tilespmem:s17+$0x6300] =	vst v14  }
0x195: {  	v1 =	vld.idx.msk [tilespmem:v54+s8+$0x0], $0xffff;
	[tilespmem:s18+$0x6300] =	vst v12  }
0x196: {  	v2 =	vld.idx.msk [tilespmem:v55+s8+$0x0], $0xffff;
	[tilespmem:s20+$0x6300] =	vst v56  }
0x197: {  	v3 =	vld.idx.msk [tilespmem:v57+s8+$0x0], $0xffff;
	[tilespmem:s22+$0x6300] =	vst v58  }
0x198: {  	v62 =	vld.idx.msk [tilespmem:v59+s8+$0x0], $0xffff;
	[tilespmem:s21+$0x6300] =	vst v60  }
0x199: {  	s12 =	sadd.s32 $0x1, s12;
	[tilespmem:s15+$0x6380] =	vst v0;
	v63 =	vld.idx.msk [tilespmem:v61+s8+$0x0], $0xffff  }
0x19a: {  	p0 =	sne.s32 s12, $0x20;
	[tilespmem:s17+$0x6380] =	vst v1  }
.Ltmp1:
0x19b: {  	[tilespmem:s18+$0x6380] =	vst v2;
	(pc) =	sbr.rel @p0 .LBB2_2-.Ltmp1, $4  }
0x19c: {  	[tilespmem:s20+$0x6380] =	vst v3  }
0x19d: {  	s31 =	sshll.u32 s23, $0xC;
	[tilespmem:s22+$0x6380] =	vst v62  }
0x19e: {  	s13 =	sadd.s32 $0x1, s13;
	s15 =	sadd.s32 s1, s31;
	[tilespmem:s21+$0x6380] =	vst v63  }
0x19f: {  	[hbm4b:s15+s3] =	stream.linear.scatter [tilespmem:s14], [sflag:s13], $0x8000, $0x38;
	[tilespmem:$0x1C000] =	vst v63  }
0x1a0: {  	s11 =	sadd.s32 $0x1, s11  }
0x1a1: {  	_ =	swait.ge [sflag:s9], $0x8000;
	p0 =	sne.s32 s11, s7  }
.Ltmp2:
0x1a2: {  	[sflag:s9] =	ssyncset.done $0x0;
	(pc) =	sbr.rel @p0 .LBB2_1-.Ltmp2, $4  }
0x1a3: {  	[sflag:s9] =	ssyncadd.s32 $0xFFFF8000  }
0x1a4: {  	_ =	swait.ge [sflag:s10], $0x8000  }
0x1a5: {  	[sflag:s10] =	ssyncset.done $0x0  }
0x1a6: {  	[sflag:s10] =	ssyncadd.s32 $0xFFFF8000  }
0x1a7: {  	_ =	sfence.sel $0x180000  }
0x1a8: {  	[bflag:$0x0] =	sbarrier.arrive $0xFFFF  }
0x1a9: {  	p0 =	sne.s32 s2, $0x0;
	_ =	strace $0x90000047  }
0x1aa: {  	s0 =	sadd.s32 @!p0 $0x100000, s0;
	[bflag:$0x2] =	sbarrier.arrive $0xFFFF  }
0x1ab: {  	[sflag:s0] =	ssyncadd.tile.s32 @!p0 $0x1;
	_ =	shalt  }
.Lfunc_end2:
_tile_overlayer_lowered:
.L_overlay_start_2:
0x1ac: {  	(tag) =	ssettag $0x2  }
0x1ad: {  	s0 =	rddreg [dreg:$0x0];
	s2 =	stileid.u32  }
0x1ae: {  	s1 =	rddreg [dreg:$0x1];
	p0 =	sne.s32 s2, $0x0  }
0x1af: {  	s3 =	rddreg [dreg:$0x2];
	[bflag:$0x3] =	sbarrier.arrive $0xFFFF;
	s2 =	simm.s32 @!p0 $0x1C03  }
0x1b0: {  	[timem:s3], [sflag:s2] =	dma.local @!p0 [hbm:s0], s1  }
0x1b1: {  	s0 =	simm.s32 @!p0 $0x3  }
0x1b2: {  	_ =	swait.ge @!p0 [sflag:s0], s1  }
0x1b3: {  	s1 =	ssub.s32 @!p0 $0x0, s1;
	[sflag:s0] =	ssyncset.done @!p0 $0x0  }
0x1b4: {  	[sflag:s0] =	ssyncadd.s32 @!p0 s1  }
0x1b5: {  	[bflag:$0x3] =	sbarrier.arrive $0xFFFF  }
0x1b6: {  	_ =	shalt  }

</sc_bundles>
